<compile_context>
chip_gen: v7x
topology: tpu7x:2x2x1
jax: 0.10.2.dev20260603
libtpu: 0.0.44.dev20260713+nightly
codegen_flags: <defaults>
</compile_context>

<pallas_src>
import functools

import jax
import jax.numpy as jnp
from jax import lax
from jax.experimental import pallas as pl
from jax.experimental.pallas import tpu as pltpu
from jax.experimental.pallas import tpu_sc as plsc

DIM = 32
B = 4096
S = 200
NW = 32
BW = B // NW
G = 10
NG = S // G
GI = G * BW


@functools.cache
def _make_gather(num_embeddings: int):
    mesh = plsc.VectorSubcoreMesh(core_axis_name="c", subcore_axis_name="s")

    @functools.partial(
        pl.kernel,
        mesh=mesh,
        out_type=jax.ShapeDtypeStruct((S, 4, NW, 8, BW), jnp.float32),
        scratch_types=[
            pltpu.VMEM((2, GI), jnp.int32),
            pltpu.VMEM((2, GI, DIM), jnp.float32),
            pltpu.VMEM((G, 4, 8, BW + 1), jnp.float32),
            pltpu.SemaphoreType.DMA,
            pltpu.SemaphoreType.DMA,
            pltpu.SemaphoreType.DMA,
        ],
        compiler_params=pltpu.CompilerParams(
            use_tc_tiling_on_sc=False, needs_layout_passes=False),
    )
    def gather_kernel(table_hbm, idx_hbm, out_hbm, idx_v, rows_v, trows_v,
                      isem, gsem, ssem):
        wid = lax.axis_index("s") * 2 + lax.axis_index("c")
        ibase = wid * (S * BW)

        lane = lax.iota(jnp.int32, 16)
        tr_vec = [(lane + 16 * h) // 8 for h in range(2)]
        r_vec = [(lane + 16 * h) % 8 for h in range(2)]

        def start_idx(g, p):
            return pltpu.async_copy(
                idx_hbm.at[pl.ds(ibase + g * GI, GI)], idx_v.at[p], isem)

        def wait_idx(p):
            pltpu.make_async_copy(
                idx_hbm.at[pl.ds(ibase, GI)], idx_v.at[p], isem).wait()

        def start_gather(p):
            return pltpu.async_copy(
                table_hbm.at[idx_v.at[p]], rows_v.at[p], gsem)

        def wait_gather(p):
            pltpu.make_async_copy(
                table_hbm.at[idx_v.at[p]], rows_v.at[p], gsem).wait()

        def start_store(g):
            return pltpu.async_copy(
                trows_v.at[:, :, :, pl.ds(0, BW)],
                out_hbm.at[pl.ds(g * G, G), :, wid], ssem)

        def wait_store():
            pltpu.make_async_copy(
                trows_v.at[:, :, :, pl.ds(0, BW)],
                out_hbm.at[pl.ds(0, G), :, wid], ssem).wait()

        def transpose(p):
            def unit(u, carry):
                base = u * BW
                uvec = jnp.full((16,), 0, jnp.int32) + u

                def colblk(cb, carry2):
                    c0 = cb * 8
                    vs = [[rows_v[p, base + c0 + cc, pl.ds(16 * h, 16)]
                           for h in range(2)] for cc in range(8)]
                    for cc in range(8):
                        cvec = jnp.full((16,), 0, jnp.int32) + (c0 + cc)
                        for h in range(2):
                            plsc.store_scatter(
                                trows_v, [uvec, tr_vec[h], r_vec[h], cvec],
                                vs[cc][h])
                    return carry2

                return lax.fori_loop(0, BW // 8, colblk, carry)

            lax.fori_loop(0, G, unit, 0)

        start_idx(0, 0)
        wait_idx(0)
        start_gather(0)
        start_idx(1, 1)

        def body(h, carry):
            for phase in range(2):
                p = phase
                q = 1 - phase
                g = 2 * h + phase
                wait_gather(p)

                @pl.when(g + 1 < NG)
                def _():
                    wait_idx(q)
                    start_gather(q)

                @pl.when(g + 2 < NG)
                def _():
                    start_idx(g + 2, p)

                @pl.when(g >= 1)
                def _():
                    wait_store()

                transpose(p)
                start_store(g)
            return carry

        lax.fori_loop(0, NG // 2, body, 0)
        wait_store()

    return gather_kernel


def kernel(input, weight):
    idx_blk = (input.astype(jnp.int32)
               .reshape(NW, BW, S)
               .transpose(0, 2, 1)
               .reshape(-1))
    out5d = _make_gather(weight.shape[0])(weight, idx_blk)
    return out5d.transpose(2, 4, 0, 1, 3).reshape(B, S, DIM)

# --- scband reference (transcript-rebuilt; emitter-appended) ---
"""Pipeline reference for scband-lorentz-embedding-28604482191744 (READ-ONLY COPY).

The authoritative reference and input builder live on the scoring server;
editing this copy changes nothing except your own understanding.
"""

import jax, jax.numpy as jnp
import numpy as np

NUM_EMBEDDINGS = 1000000
EMBEDDING_DIM = 32
K = -1.0


def _lorentz_init(key, num_embeddings, embedding_dim):
    # tangent vectors at the origin: random, L2-normalized, scaled by 0.1, time coord zeroed
    v = jax.random.normal(key, (num_embeddings, embedding_dim), dtype=jnp.float32)
    v = v / jnp.linalg.norm(v, axis=1, keepdims=True)
    v = v * 0.1
    v = v.at[:, 0].set(0.0)
    # origin of the Lorentz manifold (k=-1): (1, 0, ..., 0)
    origin = jnp.zeros((1, embedding_dim), dtype=jnp.float32)
    origin = origin.at[:, 0].set(1.0)
    # exponential map at the origin: cosh(||v||) * o + sinh(||v||) * v / ||v||
    # Lorentz norm of a tangent vector with zero time component equals its spatial L2 norm
    vnorm = jnp.linalg.norm(v[:, 1:], axis=1, keepdims=True)
    vnorm = jnp.clip(vnorm, 1e-8, None)
    w = jnp.cosh(vnorm) * origin + jnp.sinh(vnorm) * v / vnorm
    return w


def setup_inputs(seed: int = 0) -> dict:
    key = jax.random.key(seed)
    k_idx, k_w = jax.random.split(key)
    indices = jax.random.randint(k_idx, (4096, 200), 0, NUM_EMBEDDINGS, dtype=jnp.int64)
    weight = _lorentz_init(k_w, NUM_EMBEDDINGS, EMBEDDING_DIM)
    return {"input": indices, "weight": weight}


def reference(input, weight):
    # F.embedding with padding_idx=None, max_norm=None -> plain row gather
    embeddings = jnp.take(weight, input, axis=0)
    return embeddings

if __name__ == "__main__":
    import jax
    _d = setup_inputs()
    print(jax.jit(kernel)(*tuple(_d.values())))

</pallas_src>

<mosaic_0001>
#map = affine_map<(d0, d1) -> (0, 0)>
#map1 = affine_map<(d0, d1) -> (0)>
#map2 = affine_map<(d0, d1) -> (0, 0, 0, 0, 0)>
module attributes {stable_mosaic.version = 14 : i64} {
  func.func @gather_kernel(%arg0: i32, %arg1: i32, %arg2: memref<1000000x32xf32, #tpu.memory_space<hbm>>, %arg3: memref<819200xi32, #tpu.memory_space<hbm>>, %arg4: memref<200x4x32x8x128xf32, #tpu.memory_space<hbm>>, %arg5: memref<2x1280xi32, #tpu.memory_space<vmem>>, %arg6: memref<2x1280x32xf32, #tpu.memory_space<vmem>>, %arg7: memref<10x4x8x129xf32, #tpu.memory_space<vmem>>, %arg8: memref<!tpu.dma_semaphore, #tpu.memory_space<semaphore_mem>>, %arg9: memref<!tpu.dma_semaphore, #tpu.memory_space<semaphore_mem>>, %arg10: memref<!tpu.dma_semaphore, #tpu.memory_space<semaphore_mem>>) attributes {dimension_semantics = [#tpu.dimension_semantics<core_parallel>, #tpu.dimension_semantics<subcore_parallel>], iteration_bounds = array<i64: 2, 16>, scalar_prefetch = 0 : i64, scratch_operands = 6 : i64, tpu.core_type = #tpu.core_type<sc_vector_subcore>, window_params = [{transform_indices = #map}, {transform_indices = #map1}, {transform_indices = #map2}]} {
    %mul3A = arith.constant 2 : i32
    %mul3A_0 = arith.muli %arg1, %mul3A : i32
    %add3A = arith.addi %mul3A_0, %arg0 : i32
    %mul3A_1 = arith.constant 25600 : i32
    %mul3A_2 = arith.muli %add3A, %mul3A_1 : i32
    %iota3A = tpu.iota {dimensions = array<i32: 0>} : vector<16xi32>
    %add3A_3 = arith.constant 0 : i32
    %add3A_4 = vector.broadcast %add3A_3 : i32 to vector<16xi32>
    %add3A_5 = arith.addi %iota3A, %add3A_4 : vector<16xi32>
    %jit3A = arith.constant 8 : i32
    %div3A = vector.broadcast %jit3A : i32 to vector<16xi32>
    %div3A_6 = arith.divsi %add3A_5, %div3A : vector<16xi32>
    %sign3A = arith.constant 0 : i32
    %sign3A_7 = vector.broadcast %sign3A : i32 to vector<16xi32>
    %sign3A_8 = arith.cmpi sgt, %add3A_5, %sign3A_7 : vector<16xi32>
    %sign3A_9 = arith.extui %sign3A_8 : vector<16xi1> to vector<16xi32>
    %sign3A_10 = arith.constant 0 : i32
    %sign3A_11 = vector.broadcast %sign3A_10 : i32 to vector<16xi32>
    %sign3A_12 = arith.cmpi slt, %add3A_5, %sign3A_11 : vector<16xi32>
    %sign3A_13 = arith.extui %sign3A_12 : vector<16xi1> to vector<16xi32>
    %sign3A_14 = arith.subi %sign3A_9, %sign3A_13 : vector<16xi32>
    %sign3A_15 = arith.constant 0 : i32
    %sign3A_16 = arith.cmpi sgt, %jit3A, %sign3A_15 : i32
    %sign3A_17 = arith.extui %sign3A_16 : i1 to i32
    %sign3A_18 = arith.constant 0 : i32
    %sign3A_19 = arith.cmpi slt, %jit3A, %sign3A_18 : i32
    %sign3A_20 = arith.extui %sign3A_19 : i1 to i32
    %sign3A_21 = arith.subi %sign3A_17, %sign3A_20 : i32
    %ne3A = vector.broadcast %sign3A_21 : i32 to vector<16xi32>
    %ne3A_22 = arith.cmpi ne, %sign3A_14, %ne3A : vector<16xi32>
    %rem3A = vector.broadcast %jit3A : i32 to vector<16xi32>
    %rem3A_23 = arith.remsi %add3A_5, %rem3A : vector<16xi32>
    %ne3A_24 = arith.constant 0 : i32
    %ne3A_25 = vector.broadcast %ne3A_24 : i32 to vector<16xi32>
    %ne3A_26 = arith.cmpi ne, %rem3A_23, %ne3A_25 : vector<16xi32>
    %and3A = arith.andi %ne3A_22, %ne3A_26 : vector<16xi1>
    %sub3A = arith.constant 1 : i32
    %sub3A_27 = vector.broadcast %sub3A : i32 to vector<16xi32>
    %sub3A_28 = arith.subi %div3A_6, %sub3A_27 : vector<16xi32>
    %select_n3A = arith.select %and3A, %sub3A_28, %div3A_6 : vector<16xi1>, vector<16xi32>
    %add3A_29 = arith.constant 16 : i32
    %add3A_30 = vector.broadcast %add3A_29 : i32 to vector<16xi32>
    %add3A_31 = arith.addi %iota3A, %add3A_30 : vector<16xi32>
    %jit3A_32 = arith.constant 8 : i32
    %div3A_33 = vector.broadcast %jit3A_32 : i32 to vector<16xi32>
    %div3A_34 = arith.divsi %add3A_31, %div3A_33 : vector<16xi32>
    %sign3A_35 = arith.constant 0 : i32
    %sign3A_36 = vector.broadcast %sign3A_35 : i32 to vector<16xi32>
    %sign3A_37 = arith.cmpi sgt, %add3A_31, %sign3A_36 : vector<16xi32>
    %sign3A_38 = arith.extui %sign3A_37 : vector<16xi1> to vector<16xi32>
    %sign3A_39 = arith.constant 0 : i32
    %sign3A_40 = vector.broadcast %sign3A_39 : i32 to vector<16xi32>
    %sign3A_41 = arith.cmpi slt, %add3A_31, %sign3A_40 : vector<16xi32>
    %sign3A_42 = arith.extui %sign3A_41 : vector<16xi1> to vector<16xi32>
    %sign3A_43 = arith.subi %sign3A_38, %sign3A_42 : vector<16xi32>
    %sign3A_44 = arith.constant 0 : i32
    %sign3A_45 = arith.cmpi sgt, %jit3A_32, %sign3A_44 : i32
    %sign3A_46 = arith.extui %sign3A_45 : i1 to i32
    %sign3A_47 = arith.constant 0 : i32
    %sign3A_48 = arith.cmpi slt, %jit3A_32, %sign3A_47 : i32
    %sign3A_49 = arith.extui %sign3A_48 : i1 to i32
    %sign3A_50 = arith.subi %sign3A_46, %sign3A_49 : i32
    %ne3A_51 = vector.broadcast %sign3A_50 : i32 to vector<16xi32>
    %ne3A_52 = arith.cmpi ne, %sign3A_43, %ne3A_51 : vector<16xi32>
    %rem3A_53 = vector.broadcast %jit3A_32 : i32 to vector<16xi32>
    %rem3A_54 = arith.remsi %add3A_31, %rem3A_53 : vector<16xi32>
    %ne3A_55 = arith.constant 0 : i32
    %ne3A_56 = vector.broadcast %ne3A_55 : i32 to vector<16xi32>
    %ne3A_57 = arith.cmpi ne, %rem3A_54, %ne3A_56 : vector<16xi32>
    %and3A_58 = arith.andi %ne3A_52, %ne3A_57 : vector<16xi1>
    %sub3A_59 = arith.constant 1 : i32
    %sub3A_60 = vector.broadcast %sub3A_59 : i32 to vector<16xi32>
    %sub3A_61 = arith.subi %div3A_34, %sub3A_60 : vector<16xi32>
    %select_n3A_62 = arith.select %and3A_58, %sub3A_61, %div3A_34 : vector<16xi1>, vector<16xi32>
    %add3A_63 = arith.constant 0 : i32
    %add3A_64 = vector.broadcast %add3A_63 : i32 to vector<16xi32>
    %add3A_65 = arith.addi %iota3A, %add3A_64 : vector<16xi32>
    %jit3A_66 = arith.constant 8 : i32
    %eq3A = arith.constant 0 : i32
    %eq3A_67 = arith.cmpi eq, %jit3A_66, %eq3A : i32
    %jit3A_68 = arith.constant 1 : i32
    %select_n3A_69 = arith.select %eq3A_67, %jit3A_68, %jit3A_66 : i32
    %rem3A_70 = vector.broadcast %select_n3A_69 : i32 to vector<16xi32>
    %rem3A_71 = arith.remsi %add3A_65, %rem3A_70 : vector<16xi32>
    %ne3A_72 = arith.constant 0 : i32
    %ne3A_73 = vector.broadcast %ne3A_72 : i32 to vector<16xi32>
    %ne3A_74 = arith.cmpi ne, %rem3A_71, %ne3A_73 : vector<16xi32>
    %lt3A = arith.constant 0 : i32
    %lt3A_75 = vector.broadcast %lt3A : i32 to vector<16xi32>
    %lt3A_76 = arith.cmpi slt, %rem3A_71, %lt3A_75 : vector<16xi32>
    %lt3A_77 = arith.constant 0 : i32
    %lt3A_78 = arith.cmpi slt, %select_n3A_69, %lt3A_77 : i32
    %ne3A_79 = vector.broadcast %lt3A_78 : i1 to vector<16xi1>
    %ne3A_80 = vector.broadcast %ne3A_79 : vector<16xi1> to vector<16xi1>
    %ne3A_81 = arith.xori %lt3A_76, %ne3A_80 : vector<16xi1>
    %and3A_82 = arith.andi %ne3A_81, %ne3A_74 : vector<16xi1>
    %add3A_83 = vector.broadcast %select_n3A_69 : i32 to vector<16xi32>
    %add3A_84 = arith.addi %rem3A_71, %add3A_83 : vector<16xi32>
    %select_n3A_85 = arith.select %and3A_82, %add3A_84, %rem3A_71 : vector<16xi1>, vector<16xi32>
    %add3A_86 = arith.constant 16 : i32
    %add3A_87 = vector.broadcast %add3A_86 : i32 to vector<16xi32>
    %add3A_88 = arith.addi %iota3A, %add3A_87 : vector<16xi32>
    %jit3A_89 = arith.constant 8 : i32
    %eq3A_90 = arith.constant 0 : i32
    %eq3A_91 = arith.cmpi eq, %jit3A_89, %eq3A_90 : i32
    %jit3A_92 = arith.constant 1 : i32
    %select_n3A_93 = arith.select %eq3A_91, %jit3A_92, %jit3A_89 : i32
    %rem3A_94 = vector.broadcast %select_n3A_93 : i32 to vector<16xi32>
    %rem3A_95 = arith.remsi %add3A_88, %rem3A_94 : vector<16xi32>
    %ne3A_96 = arith.constant 0 : i32
    %ne3A_97 = vector.broadcast %ne3A_96 : i32 to vector<16xi32>
    %ne3A_98 = arith.cmpi ne, %rem3A_95, %ne3A_97 : vector<16xi32>
    %lt3A_99 = arith.constant 0 : i32
    %lt3A_100 = vector.broadcast %lt3A_99 : i32 to vector<16xi32>
    %lt3A_101 = arith.cmpi slt, %rem3A_95, %lt3A_100 : vector<16xi32>
    %lt3A_102 = arith.constant 0 : i32
    %lt3A_103 = arith.cmpi slt, %select_n3A_93, %lt3A_102 : i32
    %ne3A_104 = vector.broadcast %lt3A_103 : i1 to vector<16xi1>
    %ne3A_105 = vector.broadcast %ne3A_104 : vector<16xi1> to vector<16xi1>
    %ne3A_106 = arith.xori %lt3A_101, %ne3A_105 : vector<16xi1>
    %and3A_107 = arith.andi %ne3A_106, %ne3A_98 : vector<16xi1>
    %add3A_108 = vector.broadcast %select_n3A_93 : i32 to vector<16xi32>
    %add3A_109 = arith.addi %rem3A_95, %add3A_108 : vector<16xi32>
    %select_n3A_110 = arith.select %and3A_107, %add3A_109, %rem3A_95 : vector<16xi1>, vector<16xi32>
    %add3A_111 = arith.constant 0 : i32
    %add3A_112 = arith.addi %mul3A_2, %add3A_111 : i32
    %dma_start3A = arith.constant 0 : i32
    %dma_start3A_113 = arith.constant 0 : i32
    %dma_start3A_114 = tpu.memref_slice %arg5[%dma_start3A, %dma_start3A_113] : memref<2x1280xi32, #tpu.memory_space<vmem>> -> memref<1x1280xi32, #tpu.memory_space<vmem>>
    %dma_start3A_115 = tpu.memref_squeeze %dma_start3A_114 : memref<1x1280xi32, #tpu.memory_space<vmem>> -> memref<1280xi32, #tpu.memory_space<vmem>>
    %dma_start3A_116 = tpu.memref_slice %arg3[%add3A_112] : memref<819200xi32, #tpu.memory_space<hbm>> -> memref<1280xi32, #tpu.memory_space<hbm>>
    %dma_start3A_117 = arith.constant 0 : i32
    %dma_start3A_118 = tpu.memref_slice %arg5[%dma_start3A, %dma_start3A_117] : memref<2x1280xi32, #tpu.memory_space<vmem>> -> memref<1x1280xi32, #tpu.memory_space<vmem>>
    %dma_start3A_119 = tpu.memref_squeeze %dma_start3A_118 : memref<1x1280xi32, #tpu.memory_space<vmem>> -> memref<1280xi32, #tpu.memory_space<vmem>>
    %dma_start3A_120 = tpu.memref_slice %arg3[%add3A_112] : memref<819200xi32, #tpu.memory_space<hbm>> -> memref<1280xi32, #tpu.memory_space<hbm>>
    tpu.enqueue_dma source(%dma_start3A_120 : memref<1280xi32, #tpu.memory_space<hbm>>) target(%dma_start3A_119 : memref<1280xi32, #tpu.memory_space<vmem>>) target_semaphore(%arg8 : memref<!tpu.dma_semaphore, #tpu.memory_space<semaphore_mem>>)
    %dma_wait3A = arith.constant 0 : i32
    %dma_wait3A_121 = arith.constant 0 : i32
    %dma_wait3A_122 = tpu.memref_slice %arg5[%dma_wait3A, %dma_wait3A_121] : memref<2x1280xi32, #tpu.memory_space<vmem>> -> memref<1x1280xi32, #tpu.memory_space<vmem>>
    %dma_wait3A_123 = tpu.memref_squeeze %dma_wait3A_122 : memref<1x1280xi32, #tpu.memory_space<vmem>> -> memref<1280xi32, #tpu.memory_space<vmem>>
    %dma_wait3A_124 = tpu.memref_slice %arg3[%mul3A_2] : memref<819200xi32, #tpu.memory_space<hbm>> -> memref<1280xi32, #tpu.memory_space<hbm>>
    %dma_wait3A_125 = arith.constant 0 : i32
    %dma_wait3A_126 = tpu.memref_slice %arg5[%dma_wait3A, %dma_wait3A_125] : memref<2x1280xi32, #tpu.memory_space<vmem>> -> memref<1x1280xi32, #tpu.memory_space<vmem>>
    %dma_wait3A_127 = tpu.memref_squeeze %dma_wait3A_126 : memref<1x1280xi32, #tpu.memory_space<vmem>> -> memref<1280xi32, #tpu.memory_space<vmem>>
    %dma_wait3A_128 = tpu.memref_slice %arg3[%mul3A_2] : memref<819200xi32, #tpu.memory_space<hbm>> -> memref<1280xi32, #tpu.memory_space<hbm>>
    tpu.wait_dma2 semaphore(%arg8 : memref<!tpu.dma_semaphore, #tpu.memory_space<semaphore_mem>>) src(%dma_wait3A_128 : memref<1280xi32, #tpu.memory_space<hbm>>) dst(%dma_wait3A_127 : memref<1280xi32, #tpu.memory_space<vmem>>)
    %dma_start3A_129 = arith.constant 0 : i32
    %dma_start3A_130 = arith.constant 0 : i32
    %dma_start3A_131 = arith.constant 0 : i32
    %dma_start3A_132 = arith.constant 0 : i32
    %dma_start3A_133 = tpu.memref_slice %arg6[%dma_start3A_130, %dma_start3A_131, %dma_start3A_132] : memref<2x1280x32xf32, #tpu.memory_space<vmem>> -> memref<1x1280x32xf32, #tpu.memory_space<vmem>>
    %dma_start3A_134 = tpu.memref_squeeze %dma_start3A_133 : memref<1x1280x32xf32, #tpu.memory_space<vmem>> -> memref<1280x32xf32, #tpu.memory_space<vmem>>
    %dma_start3A_135 = arith.constant 0 : i32
    %dma_start3A_136 = tpu.memref_slice %arg5[%dma_start3A_129, %dma_start3A_135] : memref<2x1280xi32, #tpu.memory_space<vmem>> -> memref<1x1280xi32, #tpu.memory_space<vmem>>
    %dma_start3A_137 = tpu.memref_squeeze %dma_start3A_136 : memref<1x1280xi32, #tpu.memory_space<vmem>> -> memref<1280xi32, #tpu.memory_space<vmem>>
    %dma_start3A_138 = arith.constant 0 : i32
    %dma_start3A_139 = arith.constant 0 : i32
    %dma_start3A_140 = tpu.memref_slice %arg2[%dma_start3A_138, %dma_start3A_139] : memref<1000000x32xf32, #tpu.memory_space<hbm>> -> memref<1000000x32xf32, #tpu.memory_space<hbm>>
    tpu.enqueue_indirect_dma source(%dma_start3A_140 : memref<1000000x32xf32, #tpu.memory_space<hbm>>) target(%dma_start3A_134 : memref<1280x32xf32, #tpu.memory_space<vmem>>) offsets(%dma_start3A_137 : memref<1280xi32, #tpu.memory_space<vmem>>) semaphore(%arg9 : memref<!tpu.dma_semaphore, #tpu.memory_space<semaphore_mem>>)
    %add3A_141 = arith.constant 1280 : i32
    %add3A_142 = arith.addi %mul3A_2, %add3A_141 : i32
    %dma_start3A_143 = arith.constant 1 : i32
    %dma_start3A_144 = arith.constant 0 : i32
    %dma_start3A_145 = tpu.memref_slice %arg5[%dma_start3A_143, %dma_start3A_144] : memref<2x1280xi32, #tpu.memory_space<vmem>> -> memref<1x1280xi32, #tpu.memory_space<vmem>>
    %dma_start3A_146 = tpu.memref_squeeze %dma_start3A_145 : memref<1x1280xi32, #tpu.memory_space<vmem>> -> memref<1280xi32, #tpu.memory_space<vmem>>
    %dma_start3A_147 = tpu.memref_slice %arg3[%add3A_142] : memref<819200xi32, #tpu.memory_space<hbm>> -> memref<1280xi32, #tpu.memory_space<hbm>>
    %dma_start3A_148 = arith.constant 0 : i32
    %dma_start3A_149 = tpu.memref_slice %arg5[%dma_start3A_143, %dma_start3A_148] : memref<2x1280xi32, #tpu.memory_space<vmem>> -> memref<1x1280xi32, #tpu.memory_space<vmem>>
    %dma_start3A_150 = tpu.memref_squeeze %dma_start3A_149 : memref<1x1280xi32, #tpu.memory_space<vmem>> -> memref<1280xi32, #tpu.memory_space<vmem>>
    %dma_start3A_151 = tpu.memref_slice %arg3[%add3A_142] : memref<819200xi32, #tpu.memory_space<hbm>> -> memref<1280xi32, #tpu.memory_space<hbm>>
    tpu.enqueue_dma source(%dma_start3A_151 : memref<1280xi32, #tpu.memory_space<hbm>>) target(%dma_start3A_150 : memref<1280xi32, #tpu.memory_space<vmem>>) target_semaphore(%arg8 : memref<!tpu.dma_semaphore, #tpu.memory_space<semaphore_mem>>)
    %scan3A = arith.constant 0 : i32
    %scan3A_152 = arith.constant 0 : i32
    %scan3A_153 = arith.constant 10 : i32
    %scan3A_154 = arith.addi %scan3A_152, %scan3A_153 : i32
    %scan3A_155 = arith.constant 1 : i32
    scf.for %scan3A_179 = %scan3A_152 to %scan3A_154 step %scan3A_155  : i32 {
      %mul3A_180 = arith.constant 2 : i32
      %mul3A_181 = arith.muli %mul3A_180, %scan3A_179 : i32
      %add3A_182 = arith.constant 0 : i32
      %add3A_183 = arith.addi %mul3A_181, %add3A_182 : i32
      %dma_wait3A_184 = arith.constant 0 : i32
      %dma_wait3A_185 = arith.constant 0 : i32
      %dma_wait3A_186 = arith.constant 0 : i32
      %dma_wait3A_187 = arith.constant 0 : i32
      %dma_wait3A_188 = tpu.memref_slice %arg6[%dma_wait3A_185, %dma_wait3A_186, %dma_wait3A_187] : memref<2x1280x32xf32, #tpu.memory_space<vmem>> -> memref<1x1280x32xf32, #tpu.memory_space<vmem>>
      %dma_wait3A_189 = tpu.memref_squeeze %dma_wait3A_188 : memref<1x1280x32xf32, #tpu.memory_space<vmem>> -> memref<1280x32xf32, #tpu.memory_space<vmem>>
      %dma_wait3A_190 = arith.constant 0 : i32
      %dma_wait3A_191 = tpu.memref_slice %arg5[%dma_wait3A_184, %dma_wait3A_190] : memref<2x1280xi32, #tpu.memory_space<vmem>> -> memref<1x1280xi32, #tpu.memory_space<vmem>>
      %dma_wait3A_192 = tpu.memref_squeeze %dma_wait3A_191 : memref<1x1280xi32, #tpu.memory_space<vmem>> -> memref<1280xi32, #tpu.memory_space<vmem>>
      %dma_wait3A_193 = arith.constant 0 : i32
      %dma_wait3A_194 = arith.constant 0 : i32
      %dma_wait3A_195 = tpu.memref_slice %arg2[%dma_wait3A_193, %dma_wait3A_194] : memref<1000000x32xf32, #tpu.memory_space<hbm>> -> memref<1000000x32xf32, #tpu.memory_space<hbm>>
      tpu.wait_indirect_dma semaphore(%arg9 : memref<!tpu.dma_semaphore, #tpu.memory_space<semaphore_mem>>) src(%dma_wait3A_195 : memref<1000000x32xf32, #tpu.memory_space<hbm>>) dst(%dma_wait3A_189 : memref<1280x32xf32, #tpu.memory_space<vmem>>)
      %add3A_196 = arith.constant 1 : i32
      %add3A_197 = arith.addi %add3A_183, %add3A_196 : i32
      %lt3A_198 = arith.constant 20 : i32
      %lt3A_199 = arith.cmpi slt, %add3A_197, %lt3A_198 : i32
      %convert_element_type3A = arith.extui %lt3A_199 : i1 to i32
      %cond3A = arith.constant 0 : i32
      %cond3A_200 = arith.cmpi ne, %convert_element_type3A, %cond3A : i32
      scf.if %cond3A_200 {
        %dma_wait3A_303 = arith.constant 1 : i32
        %dma_wait3A_304 = arith.constant 0 : i32
        %dma_wait3A_305 = tpu.memref_slice %arg5[%dma_wait3A_303, %dma_wait3A_304] : memref<2x1280xi32, #tpu.memory_space<vmem>> -> memref<1x1280xi32, #tpu.memory_space<vmem>>
        %dma_wait3A_306 = tpu.memref_squeeze %dma_wait3A_305 : memref<1x1280xi32, #tpu.memory_space<vmem>> -> memref<1280xi32, #tpu.memory_space<vmem>>
        %dma_wait3A_307 = tpu.memref_slice %arg3[%mul3A_2] : memref<819200xi32, #tpu.memory_space<hbm>> -> memref<1280xi32, #tpu.memory_space<hbm>>
        %dma_wait3A_308 = arith.constant 0 : i32
        %dma_wait3A_309 = tpu.memref_slice %arg5[%dma_wait3A_303, %dma_wait3A_308] : memref<2x1280xi32, #tpu.memory_space<vmem>> -> memref<1x1280xi32, #tpu.memory_space<vmem>>
        %dma_wait3A_310 = tpu.memref_squeeze %dma_wait3A_309 : memref<1x1280xi32, #tpu.memory_space<vmem>> -> memref<1280xi32, #tpu.memory_space<vmem>>
        %dma_wait3A_311 = tpu.memref_slice %arg3[%mul3A_2] : memref<819200xi32, #tpu.memory_space<hbm>> -> memref<1280xi32, #tpu.memory_space<hbm>>
        tpu.wait_dma2 semaphore(%arg8 : memref<!tpu.dma_semaphore, #tpu.memory_space<semaphore_mem>>) src(%dma_wait3A_311 : memref<1280xi32, #tpu.memory_space<hbm>>) dst(%dma_wait3A_310 : memref<1280xi32, #tpu.memory_space<vmem>>)
        %dma_start3A_312 = arith.constant 1 : i32
        %dma_start3A_313 = arith.constant 1 : i32
        %dma_start3A_314 = arith.constant 0 : i32
        %dma_start3A_315 = arith.constant 0 : i32
        %dma_start3A_316 = tpu.memref_slice %arg6[%dma_start3A_313, %dma_start3A_314, %dma_start3A_315] : memref<2x1280x32xf32, #tpu.memory_space<vmem>> -> memref<1x1280x32xf32, #tpu.memory_space<vmem>>
        %dma_start3A_317 = tpu.memref_squeeze %dma_start3A_316 : memref<1x1280x32xf32, #tpu.memory_space<vmem>> -> memref<1280x32xf32, #tpu.memory_space<vmem>>
        %dma_start3A_318 = arith.constant 0 : i32
        %dma_start3A_319 = tpu.memref_slice %arg5[%dma_start3A_312, %dma_start3A_318] : memref<2x1280xi32, #tpu.memory_space<vmem>> -> memref<1x1280xi32, #tpu.memory_space<vmem>>
        %dma_start3A_320 = tpu.memref_squeeze %dma_start3A_319 : memref<1x1280xi32, #tpu.memory_space<vmem>> -> memref<1280xi32, #tpu.memory_space<vmem>>
        %dma_start3A_321 = arith.constant 0 : i32
        %dma_start3A_322 = arith.constant 0 : i32
        %dma_start3A_323 = tpu.memref_slice %arg2[%dma_start3A_321, %dma_start3A_322] : memref<1000000x32xf32, #tpu.memory_space<hbm>> -> memref<1000000x32xf32, #tpu.memory_space<hbm>>
        tpu.enqueue_indirect_dma source(%dma_start3A_323 : memref<1000000x32xf32, #tpu.memory_space<hbm>>) target(%dma_start3A_317 : memref<1280x32xf32, #tpu.memory_space<vmem>>) offsets(%dma_start3A_320 : memref<1280xi32, #tpu.memory_space<vmem>>) semaphore(%arg9 : memref<!tpu.dma_semaphore, #tpu.memory_space<semaphore_mem>>)
      } else {
      }
      %add3A_201 = arith.constant 2 : i32
      %add3A_202 = arith.addi %add3A_183, %add3A_201 : i32
      %lt3A_203 = arith.constant 20 : i32
      %lt3A_204 = arith.cmpi slt, %add3A_202, %lt3A_203 : i32
      %convert_element_type3A_205 = arith.extui %lt3A_204 : i1 to i32
      %cond3A_206 = arith.constant 0 : i32
      %cond3A_207 = arith.cmpi ne, %convert_element_type3A_205, %cond3A_206 : i32
      scf.if %cond3A_207 {
        %add3A_303 = arith.constant 2 : i32
        %add3A_304 = arith.addi %add3A_183, %add3A_303 : i32
        %mul3A_305 = arith.constant 1280 : i32
        %mul3A_306 = arith.muli %add3A_304, %mul3A_305 : i32
        %add3A_307 = arith.addi %mul3A_2, %mul3A_306 : i32
        %dma_start3A_308 = arith.constant 0 : i32
        %dma_start3A_309 = arith.constant 0 : i32
        %dma_start3A_310 = tpu.memref_slice %arg5[%dma_start3A_308, %dma_start3A_309] : memref<2x1280xi32, #tpu.memory_space<vmem>> -> memref<1x1280xi32, #tpu.memory_space<vmem>>
        %dma_start3A_311 = tpu.memref_squeeze %dma_start3A_310 : memref<1x1280xi32, #tpu.memory_space<vmem>> -> memref<1280xi32, #tpu.memory_space<vmem>>
        %dma_start3A_312 = tpu.memref_slice %arg3[%add3A_307] : memref<819200xi32, #tpu.memory_space<hbm>> -> memref<1280xi32, #tpu.memory_space<hbm>>
        %dma_start3A_313 = arith.constant 0 : i32
        %dma_start3A_314 = tpu.memref_slice %arg5[%dma_start3A_308, %dma_start3A_313] : memref<2x1280xi32, #tpu.memory_space<vmem>> -> memref<1x1280xi32, #tpu.memory_space<vmem>>
        %dma_start3A_315 = tpu.memref_squeeze %dma_start3A_314 : memref<1x1280xi32, #tpu.memory_space<vmem>> -> memref<1280xi32, #tpu.memory_space<vmem>>
        %dma_start3A_316 = tpu.memref_slice %arg3[%add3A_307] : memref<819200xi32, #tpu.memory_space<hbm>> -> memref<1280xi32, #tpu.memory_space<hbm>>
        tpu.enqueue_dma source(%dma_start3A_316 : memref<1280xi32, #tpu.memory_space<hbm>>) target(%dma_start3A_315 : memref<1280xi32, #tpu.memory_space<vmem>>) target_semaphore(%arg8 : memref<!tpu.dma_semaphore, #tpu.memory_space<semaphore_mem>>)
      } else {
      }
      %ge3A = arith.constant 1 : i32
      %ge3A_208 = arith.cmpi sge, %add3A_183, %ge3A : i32
      %convert_element_type3A_209 = arith.extui %ge3A_208 : i1 to i32
      %cond3A_210 = arith.constant 0 : i32
      %cond3A_211 = arith.cmpi ne, %convert_element_type3A_209, %cond3A_210 : i32
      scf.if %cond3A_211 {
        %dma_wait3A_303 = arith.constant 0 : i32
        %dma_wait3A_304 = arith.constant 0 : i32
        %dma_wait3A_305 = arith.constant 0 : i32
        %dma_wait3A_306 = arith.constant 0 : i32
        %dma_wait3A_307 = tpu.memref_slice %arg7[%dma_wait3A_303, %dma_wait3A_304, %dma_wait3A_305, %dma_wait3A_306] : memref<10x4x8x129xf32, #tpu.memory_space<vmem>> -> memref<10x4x8x128xf32, #tpu.memory_space<vmem>>
        %dma_wait3A_308 = arith.constant 0 : i32
        %dma_wait3A_309 = arith.constant 0 : i32
        %dma_wait3A_310 = arith.constant 0 : i32
        %dma_wait3A_311 = arith.constant 0 : i32
        %dma_wait3A_312 = tpu.memref_slice %arg4[%dma_wait3A_308, %dma_wait3A_309, %add3A, %dma_wait3A_310, %dma_wait3A_311] : memref<200x4x32x8x128xf32, #tpu.memory_space<hbm>> -> memref<10x4x1x8x128xf32, #tpu.memory_space<hbm>>
        %dma_wait3A_313 = tpu.memref_squeeze %dma_wait3A_312 : memref<10x4x1x8x128xf32, #tpu.memory_space<hbm>> -> memref<10x4x8x128xf32, #tpu.memory_space<hbm>>
        %dma_wait3A_314 = arith.constant 0 : i32
        %dma_wait3A_315 = arith.constant 0 : i32
        %dma_wait3A_316 = arith.constant 0 : i32
        %dma_wait3A_317 = arith.constant 0 : i32
        %dma_wait3A_318 = tpu.memref_slice %arg4[%dma_wait3A_314, %dma_wait3A_315, %add3A, %dma_wait3A_316, %dma_wait3A_317] : memref<200x4x32x8x128xf32, #tpu.memory_space<hbm>> -> memref<10x4x1x8x128xf32, #tpu.memory_space<hbm>>
        %dma_wait3A_319 = tpu.memref_squeeze %dma_wait3A_318 : memref<10x4x1x8x128xf32, #tpu.memory_space<hbm>> -> memref<10x4x8x128xf32, #tpu.memory_space<hbm>>
        %dma_wait3A_320 = arith.constant 0 : i32
        %dma_wait3A_321 = arith.constant 0 : i32
        %dma_wait3A_322 = arith.constant 0 : i32
        %dma_wait3A_323 = arith.constant 0 : i32
        %dma_wait3A_324 = tpu.memref_slice %arg7[%dma_wait3A_320, %dma_wait3A_321, %dma_wait3A_322, %dma_wait3A_323] : memref<10x4x8x129xf32, #tpu.memory_space<vmem>> -> memref<10x4x8x128xf32, #tpu.memory_space<vmem>>
        tpu.wait_dma2 semaphore(%arg10 : memref<!tpu.dma_semaphore, #tpu.memory_space<semaphore_mem>>) src(%dma_wait3A_324 : memref<10x4x8x128xf32, #tpu.memory_space<vmem>>) dst(%dma_wait3A_319 : memref<10x4x8x128xf32, #tpu.memory_space<hbm>>)
      } else {
      }
      %scan3A_212 = arith.constant 0 : i32
      %scan3A_213 = arith.constant 0 : i32
      %scan3A_214 = arith.constant 10 : i32
      %scan3A_215 = arith.addi %scan3A_213, %scan3A_214 : i32
      %scan3A_216 = arith.constant 1 : i32
      scf.for %scan3A_303 = %scan3A_213 to %scan3A_215 step %scan3A_216  : i32 {
        %mul3A_304 = arith.constant 128 : i32
        %mul3A_305 = arith.muli %scan3A_303, %mul3A_304 : i32
        %broadcast_in_dim3A = arith.constant 0 : i32
        %broadcast_in_dim3A_306 = vector.broadcast %broadcast_in_dim3A : i32 to vector<16xi32>
        %add3A_307 = vector.broadcast %scan3A_303 : i32 to vector<16xi32>
        %add3A_308 = arith.addi %broadcast_in_dim3A_306, %add3A_307 : vector<16xi32>
        %scan3A_309 = arith.constant 0 : i32
        %scan3A_310 = arith.constant 16 : i32
        %scan3A_311 = arith.addi %scan3A_309, %scan3A_310 : i32
        %scan3A_312 = arith.constant 1 : i32
        scf.for %scan3A_314 = %scan3A_309 to %scan3A_311 step %scan3A_312  : i32 {
          %mul3A_315 = arith.constant 8 : i32
          %mul3A_316 = arith.muli %scan3A_314, %mul3A_315 : i32
          %add3A_317 = arith.addi %mul3A_305, %mul3A_316 : i32
          %add3A_318 = arith.constant 0 : i32
          %add3A_319 = arith.addi %add3A_317, %add3A_318 : i32
          %get3A = arith.constant 0 : i32
          %get3A_320 = arith.index_cast %get3A : i32 to index
          %get3A_321 = arith.index_cast %add3A_319 : i32 to index
          %get3A_322 = arith.constant 0 : index
          %get3A_323 = tpu.vector_load %arg6[%get3A_320, %get3A_321, %get3A_322] {strides = array<i32>} : memref<2x1280x32xf32, #tpu.memory_space<vmem>>, vector<16xf32>,
          %add3A_324 = arith.addi %mul3A_305, %mul3A_316 : i32
          %add3A_325 = arith.constant 0 : i32
          %add3A_326 = arith.addi %add3A_324, %add3A_325 : i32
          %get3A_327 = arith.constant 0 : i32
          %get3A_328 = arith.index_cast %get3A_327 : i32 to index
          %get3A_329 = arith.index_cast %add3A_326 : i32 to index
          %get3A_330 = arith.constant 16 : index
          %get3A_331 = tpu.vector_load %arg6[%get3A_328, %get3A_329, %get3A_330] {strides = array<i32>} : memref<2x1280x32xf32, #tpu.memory_space<vmem>>, vector<16xf32>,
          %add3A_332 = arith.addi %mul3A_305, %mul3A_316 : i32
          %add3A_333 = arith.constant 1 : i32
          %add3A_334 = arith.addi %add3A_332, %add3A_333 : i32
          %get3A_335 = arith.constant 0 : i32
          %get3A_336 = arith.index_cast %get3A_335 : i32 to index
          %get3A_337 = arith.index_cast %add3A_334 : i32 to index
          %get3A_338 = arith.constant 0 : index
          %get3A_339 = tpu.vector_load %arg6[%get3A_336, %get3A_337, %get3A_338] {strides = array<i32>} : memref<2x1280x32xf32, #tpu.memory_space<vmem>>, vector<16xf32>,
          %add3A_340 = arith.addi %mul3A_305, %mul3A_316 : i32
          %add3A_341 = arith.constant 1 : i32
          %add3A_342 = arith.addi %add3A_340, %add3A_341 : i32
          %get3A_343 = arith.constant 0 : i32
          %get3A_344 = arith.index_cast %get3A_343 : i32 to index
          %get3A_345 = arith.index_cast %add3A_342 : i32 to index
          %get3A_346 = arith.constant 16 : index
          %get3A_347 = tpu.vector_load %arg6[%get3A_344, %get3A_345, %get3A_346] {strides = array<i32>} : memref<2x1280x32xf32, #tpu.memory_space<vmem>>, vector<16xf32>,
          %add3A_348 = arith.addi %mul3A_305, %mul3A_316 : i32
          %add3A_349 = arith.constant 2 : i32
          %add3A_350 = arith.addi %add3A_348, %add3A_349 : i32
          %get3A_351 = arith.constant 0 : i32
          %get3A_352 = arith.index_cast %get3A_351 : i32 to index
          %get3A_353 = arith.index_cast %add3A_350 : i32 to index
          %get3A_354 = arith.constant 0 : index
          %get3A_355 = tpu.vector_load %arg6[%get3A_352, %get3A_353, %get3A_354] {strides = array<i32>} : memref<2x1280x32xf32, #tpu.memory_space<vmem>>, vector<16xf32>,
          %add3A_356 = arith.addi %mul3A_305, %mul3A_316 : i32
          %add3A_357 = arith.constant 2 : i32
          %add3A_358 = arith.addi %add3A_356, %add3A_357 : i32
          %get3A_359 = arith.constant 0 : i32
          %get3A_360 = arith.index_cast %get3A_359 : i32 to index
          %get3A_361 = arith.index_cast %add3A_358 : i32 to index
          %get3A_362 = arith.constant 16 : index
          %get3A_363 = tpu.vector_load %arg6[%get3A_360, %get3A_361, %get3A_362] {strides = array<i32>} : memref<2x1280x32xf32, #tpu.memory_space<vmem>>, vector<16xf32>,
          %add3A_364 = arith.addi %mul3A_305, %mul3A_316 : i32
          %add3A_365 = arith.constant 3 : i32
          %add3A_366 = arith.addi %add3A_364, %add3A_365 : i32
          %get3A_367 = arith.constant 0 : i32
          %get3A_368 = arith.index_cast %get3A_367 : i32 to index
          %get3A_369 = arith.index_cast %add3A_366 : i32 to index
          %get3A_370 = arith.constant 0 : index
          %get3A_371 = tpu.vector_load %arg6[%get3A_368, %get3A_369, %get3A_370] {strides = array<i32>} : memref<2x1280x32xf32, #tpu.memory_space<vmem>>, vector<16xf32>,
          %add3A_372 = arith.addi %mul3A_305, %mul3A_316 : i32
          %add3A_373 = arith.constant 3 : i32
          %add3A_374 = arith.addi %add3A_372, %add3A_373 : i32
          %get3A_375 = arith.constant 0 : i32
          %get3A_376 = arith.index_cast %get3A_375 : i32 to index
          %get3A_377 = arith.index_cast %add3A_374 : i32 to index
          %get3A_378 = arith.constant 16 : index
          %get3A_379 = tpu.vector_load %arg6[%get3A_376, %get3A_377, %get3A_378] {strides = array<i32>} : memref<2x1280x32xf32, #tpu.memory_space<vmem>>, vector<16xf32>,
          %add3A_380 = arith.addi %mul3A_305, %mul3A_316 : i32
          %add3A_381 = arith.constant 4 : i32
          %add3A_382 = arith.addi %add3A_380, %add3A_381 : i32
          %get3A_383 = arith.constant 0 : i32
          %get3A_384 = arith.index_cast %get3A_383 : i32 to index
          %get3A_385 = arith.index_cast %add3A_382 : i32 to index
          %get3A_386 = arith.constant 0 : index
          %get3A_387 = tpu.vector_load %arg6[%get3A_384, %get3A_385, %get3A_386] {strides = array<i32>} : memref<2x1280x32xf32, #tpu.memory_space<vmem>>, vector<16xf32>,
          %add3A_388 = arith.addi %mul3A_305, %mul3A_316 : i32
          %add3A_389 = arith.constant 4 : i32
          %add3A_390 = arith.addi %add3A_388, %add3A_389 : i32
          %get3A_391 = arith.constant 0 : i32
          %get3A_392 = arith.index_cast %get3A_391 : i32 to index
          %get3A_393 = arith.index_cast %add3A_390 : i32 to index
          %get3A_394 = arith.constant 16 : index
          %get3A_395 = tpu.vector_load %arg6[%get3A_392, %get3A_393, %get3A_394] {strides = array<i32>} : memref<2x1280x32xf32, #tpu.memory_space<vmem>>, vector<16xf32>,
          %add3A_396 = arith.addi %mul3A_305, %mul3A_316 : i32
          %add3A_397 = arith.constant 5 : i32
          %add3A_398 = arith.addi %add3A_396, %add3A_397 : i32
          %get3A_399 = arith.constant 0 : i32
          %get3A_400 = arith.index_cast %get3A_399 : i32 to index
          %get3A_401 = arith.index_cast %add3A_398 : i32 to index
          %get3A_402 = arith.constant 0 : index
          %get3A_403 = tpu.vector_load %arg6[%get3A_400, %get3A_401, %get3A_402] {strides = array<i32>} : memref<2x1280x32xf32, #tpu.memory_space<vmem>>, vector<16xf32>,
          %add3A_404 = arith.addi %mul3A_305, %mul3A_316 : i32
          %add3A_405 = arith.constant 5 : i32
          %add3A_406 = arith.addi %add3A_404, %add3A_405 : i32
          %get3A_407 = arith.constant 0 : i32
          %get3A_408 = arith.index_cast %get3A_407 : i32 to index
          %get3A_409 = arith.index_cast %add3A_406 : i32 to index
          %get3A_410 = arith.constant 16 : index
          %get3A_411 = tpu.vector_load %arg6[%get3A_408, %get3A_409, %get3A_410] {strides = array<i32>} : memref<2x1280x32xf32, #tpu.memory_space<vmem>>, vector<16xf32>,
          %add3A_412 = arith.addi %mul3A_305, %mul3A_316 : i32
          %add3A_413 = arith.constant 6 : i32
          %add3A_414 = arith.addi %add3A_412, %add3A_413 : i32
          %get3A_415 = arith.constant 0 : i32
          %get3A_416 = arith.index_cast %get3A_415 : i32 to index
          %get3A_417 = arith.index_cast %add3A_414 : i32 to index
          %get3A_418 = arith.constant 0 : index
          %get3A_419 = tpu.vector_load %arg6[%get3A_416, %get3A_417, %get3A_418] {strides = array<i32>} : memref<2x1280x32xf32, #tpu.memory_space<vmem>>, vector<16xf32>,
          %add3A_420 = arith.addi %mul3A_305, %mul3A_316 : i32
          %add3A_421 = arith.constant 6 : i32
          %add3A_422 = arith.addi %add3A_420, %add3A_421 : i32
          %get3A_423 = arith.constant 0 : i32
          %get3A_424 = arith.index_cast %get3A_423 : i32 to index
          %get3A_425 = arith.index_cast %add3A_422 : i32 to index
          %get3A_426 = arith.constant 16 : index
          %get3A_427 = tpu.vector_load %arg6[%get3A_424, %get3A_425, %get3A_426] {strides = array<i32>} : memref<2x1280x32xf32, #tpu.memory_space<vmem>>, vector<16xf32>,
          %add3A_428 = arith.addi %mul3A_305, %mul3A_316 : i32
          %add3A_429 = arith.constant 7 : i32
          %add3A_430 = arith.addi %add3A_428, %add3A_429 : i32
          %get3A_431 = arith.constant 0 : i32
          %get3A_432 = arith.index_cast %get3A_431 : i32 to index
          %get3A_433 = arith.index_cast %add3A_430 : i32 to index
          %get3A_434 = arith.constant 0 : index
          %get3A_435 = tpu.vector_load %arg6[%get3A_432, %get3A_433, %get3A_434] {strides = array<i32>} : memref<2x1280x32xf32, #tpu.memory_space<vmem>>, vector<16xf32>,
          %add3A_436 = arith.addi %mul3A_305, %mul3A_316 : i32
          %add3A_437 = arith.constant 7 : i32
          %add3A_438 = arith.addi %add3A_436, %add3A_437 : i32
          %get3A_439 = arith.constant 0 : i32
          %get3A_440 = arith.index_cast %get3A_439 : i32 to index
          %get3A_441 = arith.index_cast %add3A_438 : i32 to index
          %get3A_442 = arith.constant 16 : index
          %get3A_443 = tpu.vector_load %arg6[%get3A_440, %get3A_441, %get3A_442] {strides = array<i32>} : memref<2x1280x32xf32, #tpu.memory_space<vmem>>, vector<16xf32>,
          %broadcast_in_dim3A_444 = arith.constant 0 : i32
          %broadcast_in_dim3A_445 = vector.broadcast %broadcast_in_dim3A_444 : i32 to vector<16xi32>
          %add3A_446 = arith.constant 0 : i32
          %add3A_447 = arith.addi %mul3A_316, %add3A_446 : i32
          %add3A_448 = vector.broadcast %add3A_447 : i32 to vector<16xi32>
          %add3A_449 = arith.addi %broadcast_in_dim3A_445, %add3A_448 : vector<16xi32>
          tpu.vector_store_idx %arg7[%add3A_308, %select_n3A, %select_n3A_85, %add3A_449], %get3A_323 : memref<10x4x8x129xf32, #tpu.memory_space<vmem>>[vector<16xi32>, vector<16xi32>, vector<16xi32>, vector<16xi32>], vector<16xf32>,
          tpu.vector_store_idx %arg7[%add3A_308, %select_n3A_62, %select_n3A_110, %add3A_449], %get3A_331 : memref<10x4x8x129xf32, #tpu.memory_space<vmem>>[vector<16xi32>, vector<16xi32>, vector<16xi32>, vector<16xi32>], vector<16xf32>,
          %broadcast_in_dim3A_450 = arith.constant 0 : i32
          %broadcast_in_dim3A_451 = vector.broadcast %broadcast_in_dim3A_450 : i32 to vector<16xi32>
          %add3A_452 = arith.constant 1 : i32
          %add3A_453 = arith.addi %mul3A_316, %add3A_452 : i32
          %add3A_454 = vector.broadcast %add3A_453 : i32 to vector<16xi32>
          %add3A_455 = arith.addi %broadcast_in_dim3A_451, %add3A_454 : vector<16xi32>
          tpu.vector_store_idx %arg7[%add3A_308, %select_n3A, %select_n3A_85, %add3A_455], %get3A_339 : memref<10x4x8x129xf32, #tpu.memory_space<vmem>>[vector<16xi32>, vector<16xi32>, vector<16xi32>, vector<16xi32>], vector<16xf32>,
          tpu.vector_store_idx %arg7[%add3A_308, %select_n3A_62, %select_n3A_110, %add3A_455], %get3A_347 : memref<10x4x8x129xf32, #tpu.memory_space<vmem>>[vector<16xi32>, vector<16xi32>, vector<16xi32>, vector<16xi32>], vector<16xf32>,
          %broadcast_in_dim3A_456 = arith.constant 0 : i32
          %broadcast_in_dim3A_457 = vector.broadcast %broadcast_in_dim3A_456 : i32 to vector<16xi32>
          %add3A_458 = arith.constant 2 : i32
          %add3A_459 = arith.addi %mul3A_316, %add3A_458 : i32
          %add3A_460 = vector.broadcast %add3A_459 : i32 to vector<16xi32>
          %add3A_461 = arith.addi %broadcast_in_dim3A_457, %add3A_460 : vector<16xi32>
          tpu.vector_store_idx %arg7[%add3A_308, %select_n3A, %select_n3A_85, %add3A_461], %get3A_355 : memref<10x4x8x129xf32, #tpu.memory_space<vmem>>[vector<16xi32>, vector<16xi32>, vector<16xi32>, vector<16xi32>], vector<16xf32>,
          tpu.vector_store_idx %arg7[%add3A_308, %select_n3A_62, %select_n3A_110, %add3A_461], %get3A_363 : memref<10x4x8x129xf32, #tpu.memory_space<vmem>>[vector<16xi32>, vector<16xi32>, vector<16xi32>, vector<16xi32>], vector<16xf32>,
          %broadcast_in_dim3A_462 = arith.constant 0 : i32
          %broadcast_in_dim3A_463 = vector.broadcast %broadcast_in_dim3A_462 : i32 to vector<16xi32>
          %add3A_464 = arith.constant 3 : i32
          %add3A_465 = arith.addi %mul3A_316, %add3A_464 : i32
          %add3A_466 = vector.broadcast %add3A_465 : i32 to vector<16xi32>
          %add3A_467 = arith.addi %broadcast_in_dim3A_463, %add3A_466 : vector<16xi32>
          tpu.vector_store_idx %arg7[%add3A_308, %select_n3A, %select_n3A_85, %add3A_467], %get3A_371 : memref<10x4x8x129xf32, #tpu.memory_space<vmem>>[vector<16xi32>, vector<16xi32>, vector<16xi32>, vector<16xi32>], vector<16xf32>,
          tpu.vector_store_idx %arg7[%add3A_308, %select_n3A_62, %select_n3A_110, %add3A_467], %get3A_379 : memref<10x4x8x129xf32, #tpu.memory_space<vmem>>[vector<16xi32>, vector<16xi32>, vector<16xi32>, vector<16xi32>], vector<16xf32>,
          %broadcast_in_dim3A_468 = arith.constant 0 : i32
          %broadcast_in_dim3A_469 = vector.broadcast %broadcast_in_dim3A_468 : i32 to vector<16xi32>
          %add3A_470 = arith.constant 4 : i32
          %add3A_471 = arith.addi %mul3A_316, %add3A_470 : i32
          %add3A_472 = vector.broadcast %add3A_471 : i32 to vector<16xi32>
          %add3A_473 = arith.addi %broadcast_in_dim3A_469, %add3A_472 : vector<16xi32>
          tpu.vector_store_idx %arg7[%add3A_308, %select_n3A, %select_n3A_85, %add3A_473], %get3A_387 : memref<10x4x8x129xf32, #tpu.memory_space<vmem>>[vector<16xi32>, vector<16xi32>, vector<16xi32>, vector<16xi32>], vector<16xf32>,
          tpu.vector_store_idx %arg7[%add3A_308, %select_n3A_62, %select_n3A_110, %add3A_473], %get3A_395 : memref<10x4x8x129xf32, #tpu.memory_space<vmem>>[vector<16xi32>, vector<16xi32>, vector<16xi32>, vector<16xi32>], vector<16xf32>,
          %broadcast_in_dim3A_474 = arith.constant 0 : i32
          %broadcast_in_dim3A_475 = vector.broadcast %broadcast_in_dim3A_474 : i32 to vector<16xi32>
          %add3A_476 = arith.constant 5 : i32
          %add3A_477 = arith.addi %mul3A_316, %add3A_476 : i32
          %add3A_478 = vector.broadcast %add3A_477 : i32 to vector<16xi32>
          %add3A_479 = arith.addi %broadcast_in_dim3A_475, %add3A_478 : vector<16xi32>
          tpu.vector_store_idx %arg7[%add3A_308, %select_n3A, %select_n3A_85, %add3A_479], %get3A_403 : memref<10x4x8x129xf32, #tpu.memory_space<vmem>>[vector<16xi32>, vector<16xi32>, vector<16xi32>, vector<16xi32>], vector<16xf32>,
          tpu.vector_store_idx %arg7[%add3A_308, %select_n3A_62, %select_n3A_110, %add3A_479], %get3A_411 : memref<10x4x8x129xf32, #tpu.memory_space<vmem>>[vector<16xi32>, vector<16xi32>, vector<16xi32>, vector<16xi32>], vector<16xf32>,
          %broadcast_in_dim3A_480 = arith.constant 0 : i32
          %broadcast_in_dim3A_481 = vector.broadcast %broadcast_in_dim3A_480 : i32 to vector<16xi32>
          %add3A_482 = arith.constant 6 : i32
          %add3A_483 = arith.addi %mul3A_316, %add3A_482 : i32
          %add3A_484 = vector.broadcast %add3A_483 : i32 to vector<16xi32>
          %add3A_485 = arith.addi %broadcast_in_dim3A_481, %add3A_484 : vector<16xi32>
          tpu.vector_store_idx %arg7[%add3A_308, %select_n3A, %select_n3A_85, %add3A_485], %get3A_419 : memref<10x4x8x129xf32, #tpu.memory_space<vmem>>[vector<16xi32>, vector<16xi32>, vector<16xi32>, vector<16xi32>], vector<16xf32>,
          tpu.vector_store_idx %arg7[%add3A_308, %select_n3A_62, %select_n3A_110, %add3A_485], %get3A_427 : memref<10x4x8x129xf32, #tpu.memory_space<vmem>>[vector<16xi32>, vector<16xi32>, vector<16xi32>, vector<16xi32>], vector<16xf32>,
          %broadcast_in_dim3A_486 = arith.constant 0 : i32
          %broadcast_in_dim3A_487 = vector.broadcast %broadcast_in_dim3A_486 : i32 to vector<16xi32>
          %add3A_488 = arith.constant 7 : i32
          %add3A_489 = arith.addi %mul3A_316, %add3A_488 : i32
          %add3A_490 = vector.broadcast %add3A_489 : i32 to vector<16xi32>
          %add3A_491 = arith.addi %broadcast_in_dim3A_487, %add3A_490 : vector<16xi32>
          tpu.vector_store_idx %arg7[%add3A_308, %select_n3A, %select_n3A_85, %add3A_491], %get3A_435 : memref<10x4x8x129xf32, #tpu.memory_space<vmem>>[vector<16xi32>, vector<16xi32>, vector<16xi32>, vector<16xi32>], vector<16xf32>,
          tpu.vector_store_idx %arg7[%add3A_308, %select_n3A_62, %select_n3A_110, %add3A_491], %get3A_443 : memref<10x4x8x129xf32, #tpu.memory_space<vmem>>[vector<16xi32>, vector<16xi32>, vector<16xi32>, vector<16xi32>], vector<16xf32>,
        }
        %scan3A_313 = arith.constant 16 : i32
      }
      %scan3A_217 = arith.constant 10 : i32
      %mul3A_218 = arith.constant 10 : i32
      %mul3A_219 = arith.muli %add3A_183, %mul3A_218 : i32
      %dma_start3A_220 = arith.constant 0 : i32
      %dma_start3A_221 = arith.constant 0 : i32
      %dma_start3A_222 = arith.constant 0 : i32
      %dma_start3A_223 = arith.constant 0 : i32
      %dma_start3A_224 = tpu.memref_slice %arg7[%dma_start3A_220, %dma_start3A_221, %dma_start3A_222, %dma_start3A_223] : memref<10x4x8x129xf32, #tpu.memory_space<vmem>> -> memref<10x4x8x128xf32, #tpu.memory_space<vmem>>
      %dma_start3A_225 = arith.constant 0 : i32
      %dma_start3A_226 = arith.constant 0 : i32
      %dma_start3A_227 = arith.constant 0 : i32
      %dma_start3A_228 = tpu.memref_slice %arg4[%mul3A_219, %dma_start3A_225, %add3A, %dma_start3A_226, %dma_start3A_227] : memref<200x4x32x8x128xf32, #tpu.memory_space<hbm>> -> memref<10x4x1x8x128xf32, #tpu.memory_space<hbm>>
      %dma_start3A_229 = tpu.memref_squeeze %dma_start3A_228 : memref<10x4x1x8x128xf32, #tpu.memory_space<hbm>> -> memref<10x4x8x128xf32, #tpu.memory_space<hbm>>
      %dma_start3A_230 = arith.constant 0 : i32
      %dma_start3A_231 = arith.constant 0 : i32
      %dma_start3A_232 = arith.constant 0 : i32
      %dma_start3A_233 = tpu.memref_slice %arg4[%mul3A_219, %dma_start3A_230, %add3A, %dma_start3A_231, %dma_start3A_232] : memref<200x4x32x8x128xf32, #tpu.memory_space<hbm>> -> memref<10x4x1x8x128xf32, #tpu.memory_space<hbm>>
      %dma_start3A_234 = tpu.memref_squeeze %dma_start3A_233 : memref<10x4x1x8x128xf32, #tpu.memory_space<hbm>> -> memref<10x4x8x128xf32, #tpu.memory_space<hbm>>
      %dma_start3A_235 = arith.constant 0 : i32
      %dma_start3A_236 = arith.constant 0 : i32
      %dma_start3A_237 = arith.constant 0 : i32
      %dma_start3A_238 = arith.constant 0 : i32
      %dma_start3A_239 = tpu.memref_slice %arg7[%dma_start3A_235, %dma_start3A_236, %dma_start3A_237, %dma_start3A_238] : memref<10x4x8x129xf32, #tpu.memory_space<vmem>> -> memref<10x4x8x128xf32, #tpu.memory_space<vmem>>
      tpu.enqueue_dma source(%dma_start3A_239 : memref<10x4x8x128xf32, #tpu.memory_space<vmem>>) target(%dma_start3A_234 : memref<10x4x8x128xf32, #tpu.memory_space<hbm>>) target_semaphore(%arg10 : memref<!tpu.dma_semaphore, #tpu.memory_space<semaphore_mem>>)
      %mul3A_240 = arith.constant 2 : i32
      %mul3A_241 = arith.muli %mul3A_240, %scan3A_179 : i32
      %add3A_242 = arith.constant 1 : i32
      %add3A_243 = arith.addi %mul3A_241, %add3A_242 : i32
      %dma_wait3A_244 = arith.constant 1 : i32
      %dma_wait3A_245 = arith.constant 1 : i32
      %dma_wait3A_246 = arith.constant 0 : i32
      %dma_wait3A_247 = arith.constant 0 : i32
      %dma_wait3A_248 = tpu.memref_slice %arg6[%dma_wait3A_245, %dma_wait3A_246, %dma_wait3A_247] : memref<2x1280x32xf32, #tpu.memory_space<vmem>> -> memref<1x1280x32xf32, #tpu.memory_space<vmem>>
      %dma_wait3A_249 = tpu.memref_squeeze %dma_wait3A_248 : memref<1x1280x32xf32, #tpu.memory_space<vmem>> -> memref<1280x32xf32, #tpu.memory_space<vmem>>
      %dma_wait3A_250 = arith.constant 0 : i32
      %dma_wait3A_251 = tpu.memref_slice %arg5[%dma_wait3A_244, %dma_wait3A_250] : memref<2x1280xi32, #tpu.memory_space<vmem>> -> memref<1x1280xi32, #tpu.memory_space<vmem>>
      %dma_wait3A_252 = tpu.memref_squeeze %dma_wait3A_251 : memref<1x1280xi32, #tpu.memory_space<vmem>> -> memref<1280xi32, #tpu.memory_space<vmem>>
      %dma_wait3A_253 = arith.constant 0 : i32
      %dma_wait3A_254 = arith.constant 0 : i32
      %dma_wait3A_255 = tpu.memref_slice %arg2[%dma_wait3A_253, %dma_wait3A_254] : memref<1000000x32xf32, #tpu.memory_space<hbm>> -> memref<1000000x32xf32, #tpu.memory_space<hbm>>
      tpu.wait_indirect_dma semaphore(%arg9 : memref<!tpu.dma_semaphore, #tpu.memory_space<semaphore_mem>>) src(%dma_wait3A_255 : memref<1000000x32xf32, #tpu.memory_space<hbm>>) dst(%dma_wait3A_249 : memref<1280x32xf32, #tpu.memory_space<vmem>>)
      %add3A_256 = arith.constant 1 : i32
      %add3A_257 = arith.addi %add3A_243, %add3A_256 : i32
      %lt3A_258 = arith.constant 20 : i32
      %lt3A_259 = arith.cmpi slt, %add3A_257, %lt3A_258 : i32
      %convert_element_type3A_260 = arith.extui %lt3A_259 : i1 to i32
      %cond3A_261 = arith.constant 0 : i32
      %cond3A_262 = arith.cmpi ne, %convert_element_type3A_260, %cond3A_261 : i32
      scf.if %cond3A_262 {
        %dma_wait3A_303 = arith.constant 0 : i32
        %dma_wait3A_304 = arith.constant 0 : i32
        %dma_wait3A_305 = tpu.memref_slice %arg5[%dma_wait3A_303, %dma_wait3A_304] : memref<2x1280xi32, #tpu.memory_space<vmem>> -> memref<1x1280xi32, #tpu.memory_space<vmem>>
        %dma_wait3A_306 = tpu.memref_squeeze %dma_wait3A_305 : memref<1x1280xi32, #tpu.memory_space<vmem>> -> memref<1280xi32, #tpu.memory_space<vmem>>
        %dma_wait3A_307 = tpu.memref_slice %arg3[%mul3A_2] : memref<819200xi32, #tpu.memory_space<hbm>> -> memref<1280xi32, #tpu.memory_space<hbm>>
        %dma_wait3A_308 = arith.constant 0 : i32
        %dma_wait3A_309 = tpu.memref_slice %arg5[%dma_wait3A_303, %dma_wait3A_308] : memref<2x1280xi32, #tpu.memory_space<vmem>> -> memref<1x1280xi32, #tpu.memory_space<vmem>>
        %dma_wait3A_310 = tpu.memref_squeeze %dma_wait3A_309 : memref<1x1280xi32, #tpu.memory_space<vmem>> -> memref<1280xi32, #tpu.memory_space<vmem>>
        %dma_wait3A_311 = tpu.memref_slice %arg3[%mul3A_2] : memref<819200xi32, #tpu.memory_space<hbm>> -> memref<1280xi32, #tpu.memory_space<hbm>>
        tpu.wait_dma2 semaphore(%arg8 : memref<!tpu.dma_semaphore, #tpu.memory_space<semaphore_mem>>) src(%dma_wait3A_311 : memref<1280xi32, #tpu.memory_space<hbm>>) dst(%dma_wait3A_310 : memref<1280xi32, #tpu.memory_space<vmem>>)
        %dma_start3A_312 = arith.constant 0 : i32
        %dma_start3A_313 = arith.constant 0 : i32
        %dma_start3A_314 = arith.constant 0 : i32
        %dma_start3A_315 = arith.constant 0 : i32
        %dma_start3A_316 = tpu.memref_slice %arg6[%dma_start3A_313, %dma_start3A_314, %dma_start3A_315] : memref<2x1280x32xf32, #tpu.memory_space<vmem>> -> memref<1x1280x32xf32, #tpu.memory_space<vmem>>
        %dma_start3A_317 = tpu.memref_squeeze %dma_start3A_316 : memref<1x1280x32xf32, #tpu.memory_space<vmem>> -> memref<1280x32xf32, #tpu.memory_space<vmem>>
        %dma_start3A_318 = arith.constant 0 : i32
        %dma_start3A_319 = tpu.memref_slice %arg5[%dma_start3A_312, %dma_start3A_318] : memref<2x1280xi32, #tpu.memory_space<vmem>> -> memref<1x1280xi32, #tpu.memory_space<vmem>>
        %dma_start3A_320 = tpu.memref_squeeze %dma_start3A_319 : memref<1x1280xi32, #tpu.memory_space<vmem>> -> memref<1280xi32, #tpu.memory_space<vmem>>
        %dma_start3A_321 = arith.constant 0 : i32
        %dma_start3A_322 = arith.constant 0 : i32
        %dma_start3A_323 = tpu.memref_slice %arg2[%dma_start3A_321, %dma_start3A_322] : memref<1000000x32xf32, #tpu.memory_space<hbm>> -> memref<1000000x32xf32, #tpu.memory_space<hbm>>
        tpu.enqueue_indirect_dma source(%dma_start3A_323 : memref<1000000x32xf32, #tpu.memory_space<hbm>>) target(%dma_start3A_317 : memref<1280x32xf32, #tpu.memory_space<vmem>>) offsets(%dma_start3A_320 : memref<1280xi32, #tpu.memory_space<vmem>>) semaphore(%arg9 : memref<!tpu.dma_semaphore, #tpu.memory_space<semaphore_mem>>)
      } else {
      }
      %add3A_263 = arith.constant 2 : i32
      %add3A_264 = arith.addi %add3A_243, %add3A_263 : i32
      %lt3A_265 = arith.constant 20 : i32
      %lt3A_266 = arith.cmpi slt, %add3A_264, %lt3A_265 : i32
      %convert_element_type3A_267 = arith.extui %lt3A_266 : i1 to i32
      %cond3A_268 = arith.constant 0 : i32
      %cond3A_269 = arith.cmpi ne, %convert_element_type3A_267, %cond3A_268 : i32
      scf.if %cond3A_269 {
        %add3A_303 = arith.constant 2 : i32
        %add3A_304 = arith.addi %add3A_243, %add3A_303 : i32
        %mul3A_305 = arith.constant 1280 : i32
        %mul3A_306 = arith.muli %add3A_304, %mul3A_305 : i32
        %add3A_307 = arith.addi %mul3A_2, %mul3A_306 : i32
        %dma_start3A_308 = arith.constant 1 : i32
        %dma_start3A_309 = arith.constant 0 : i32
        %dma_start3A_310 = tpu.memref_slice %arg5[%dma_start3A_308, %dma_start3A_309] : memref<2x1280xi32, #tpu.memory_space<vmem>> -> memref<1x1280xi32, #tpu.memory_space<vmem>>
        %dma_start3A_311 = tpu.memref_squeeze %dma_start3A_310 : memref<1x1280xi32, #tpu.memory_space<vmem>> -> memref<1280xi32, #tpu.memory_space<vmem>>
        %dma_start3A_312 = tpu.memref_slice %arg3[%add3A_307] : memref<819200xi32, #tpu.memory_space<hbm>> -> memref<1280xi32, #tpu.memory_space<hbm>>
        %dma_start3A_313 = arith.constant 0 : i32
        %dma_start3A_314 = tpu.memref_slice %arg5[%dma_start3A_308, %dma_start3A_313] : memref<2x1280xi32, #tpu.memory_space<vmem>> -> memref<1x1280xi32, #tpu.memory_space<vmem>>
        %dma_start3A_315 = tpu.memref_squeeze %dma_start3A_314 : memref<1x1280xi32, #tpu.memory_space<vmem>> -> memref<1280xi32, #tpu.memory_space<vmem>>
        %dma_start3A_316 = tpu.memref_slice %arg3[%add3A_307] : memref<819200xi32, #tpu.memory_space<hbm>> -> memref<1280xi32, #tpu.memory_space<hbm>>
        tpu.enqueue_dma source(%dma_start3A_316 : memref<1280xi32, #tpu.memory_space<hbm>>) target(%dma_start3A_315 : memref<1280xi32, #tpu.memory_space<vmem>>) target_semaphore(%arg8 : memref<!tpu.dma_semaphore, #tpu.memory_space<semaphore_mem>>)
      } else {
      }
      %ge3A_270 = arith.constant 1 : i32
      %ge3A_271 = arith.cmpi sge, %add3A_243, %ge3A_270 : i32
      %convert_element_type3A_272 = arith.extui %ge3A_271 : i1 to i32
      %cond3A_273 = arith.constant 0 : i32
      %cond3A_274 = arith.cmpi ne, %convert_element_type3A_272, %cond3A_273 : i32
      scf.if %cond3A_274 {
        %dma_wait3A_303 = arith.constant 0 : i32
        %dma_wait3A_304 = arith.constant 0 : i32
        %dma_wait3A_305 = arith.constant 0 : i32
        %dma_wait3A_306 = arith.constant 0 : i32
        %dma_wait3A_307 = tpu.memref_slice %arg7[%dma_wait3A_303, %dma_wait3A_304, %dma_wait3A_305, %dma_wait3A_306] : memref<10x4x8x129xf32, #tpu.memory_space<vmem>> -> memref<10x4x8x128xf32, #tpu.memory_space<vmem>>
        %dma_wait3A_308 = arith.constant 0 : i32
        %dma_wait3A_309 = arith.constant 0 : i32
        %dma_wait3A_310 = arith.constant 0 : i32
        %dma_wait3A_311 = arith.constant 0 : i32
        %dma_wait3A_312 = tpu.memref_slice %arg4[%dma_wait3A_308, %dma_wait3A_309, %add3A, %dma_wait3A_310, %dma_wait3A_311] : memref<200x4x32x8x128xf32, #tpu.memory_space<hbm>> -> memref<10x4x1x8x128xf32, #tpu.memory_space<hbm>>
        %dma_wait3A_313 = tpu.memref_squeeze %dma_wait3A_312 : memref<10x4x1x8x128xf32, #tpu.memory_space<hbm>> -> memref<10x4x8x128xf32, #tpu.memory_space<hbm>>
        %dma_wait3A_314 = arith.constant 0 : i32
        %dma_wait3A_315 = arith.constant 0 : i32
        %dma_wait3A_316 = arith.constant 0 : i32
        %dma_wait3A_317 = arith.constant 0 : i32
        %dma_wait3A_318 = tpu.memref_slice %arg4[%dma_wait3A_314, %dma_wait3A_315, %add3A, %dma_wait3A_316, %dma_wait3A_317] : memref<200x4x32x8x128xf32, #tpu.memory_space<hbm>> -> memref<10x4x1x8x128xf32, #tpu.memory_space<hbm>>
        %dma_wait3A_319 = tpu.memref_squeeze %dma_wait3A_318 : memref<10x4x1x8x128xf32, #tpu.memory_space<hbm>> -> memref<10x4x8x128xf32, #tpu.memory_space<hbm>>
        %dma_wait3A_320 = arith.constant 0 : i32
        %dma_wait3A_321 = arith.constant 0 : i32
        %dma_wait3A_322 = arith.constant 0 : i32
        %dma_wait3A_323 = arith.constant 0 : i32
        %dma_wait3A_324 = tpu.memref_slice %arg7[%dma_wait3A_320, %dma_wait3A_321, %dma_wait3A_322, %dma_wait3A_323] : memref<10x4x8x129xf32, #tpu.memory_space<vmem>> -> memref<10x4x8x128xf32, #tpu.memory_space<vmem>>
        tpu.wait_dma2 semaphore(%arg10 : memref<!tpu.dma_semaphore, #tpu.memory_space<semaphore_mem>>) src(%dma_wait3A_324 : memref<10x4x8x128xf32, #tpu.memory_space<vmem>>) dst(%dma_wait3A_319 : memref<10x4x8x128xf32, #tpu.memory_space<hbm>>)
      } else {
      }
      %scan3A_275 = arith.constant 0 : i32
      %scan3A_276 = arith.constant 0 : i32
      %scan3A_277 = arith.constant 10 : i32
      %scan3A_278 = arith.addi %scan3A_276, %scan3A_277 : i32
      %scan3A_279 = arith.constant 1 : i32
      scf.for %scan3A_303 = %scan3A_276 to %scan3A_278 step %scan3A_279  : i32 {
        %mul3A_304 = arith.constant 128 : i32
        %mul3A_305 = arith.muli %scan3A_303, %mul3A_304 : i32
        %broadcast_in_dim3A = arith.constant 0 : i32
        %broadcast_in_dim3A_306 = vector.broadcast %broadcast_in_dim3A : i32 to vector<16xi32>
        %add3A_307 = vector.broadcast %scan3A_303 : i32 to vector<16xi32>
        %add3A_308 = arith.addi %broadcast_in_dim3A_306, %add3A_307 : vector<16xi32>
        %scan3A_309 = arith.constant 0 : i32
        %scan3A_310 = arith.constant 16 : i32
        %scan3A_311 = arith.addi %scan3A_309, %scan3A_310 : i32
        %scan3A_312 = arith.constant 1 : i32
        scf.for %scan3A_314 = %scan3A_309 to %scan3A_311 step %scan3A_312  : i32 {
          %mul3A_315 = arith.constant 8 : i32
          %mul3A_316 = arith.muli %scan3A_314, %mul3A_315 : i32
          %add3A_317 = arith.addi %mul3A_305, %mul3A_316 : i32
          %add3A_318 = arith.constant 0 : i32
          %add3A_319 = arith.addi %add3A_317, %add3A_318 : i32
          %get3A = arith.constant 1 : i32
          %get3A_320 = arith.index_cast %get3A : i32 to index
          %get3A_321 = arith.index_cast %add3A_319 : i32 to index
          %get3A_322 = arith.constant 0 : index
          %get3A_323 = tpu.vector_load %arg6[%get3A_320, %get3A_321, %get3A_322] {strides = array<i32>} : memref<2x1280x32xf32, #tpu.memory_space<vmem>>, vector<16xf32>,
          %add3A_324 = arith.addi %mul3A_305, %mul3A_316 : i32
          %add3A_325 = arith.constant 0 : i32
          %add3A_326 = arith.addi %add3A_324, %add3A_325 : i32
          %get3A_327 = arith.constant 1 : i32
          %get3A_328 = arith.index_cast %get3A_327 : i32 to index
          %get3A_329 = arith.index_cast %add3A_326 : i32 to index
          %get3A_330 = arith.constant 16 : index
          %get3A_331 = tpu.vector_load %arg6[%get3A_328, %get3A_329, %get3A_330] {strides = array<i32>} : memref<2x1280x32xf32, #tpu.memory_space<vmem>>, vector<16xf32>,
          %add3A_332 = arith.addi %mul3A_305, %mul3A_316 : i32
          %add3A_333 = arith.constant 1 : i32
          %add3A_334 = arith.addi %add3A_332, %add3A_333 : i32
          %get3A_335 = arith.constant 1 : i32
          %get3A_336 = arith.index_cast %get3A_335 : i32 to index
          %get3A_337 = arith.index_cast %add3A_334 : i32 to index
          %get3A_338 = arith.constant 0 : index
          %get3A_339 = tpu.vector_load %arg6[%get3A_336, %get3A_337, %get3A_338] {strides = array<i32>} : memref<2x1280x32xf32, #tpu.memory_space<vmem>>, vector<16xf32>,
          %add3A_340 = arith.addi %mul3A_305, %mul3A_316 : i32
          %add3A_341 = arith.constant 1 : i32
          %add3A_342 = arith.addi %add3A_340, %add3A_341 : i32
          %get3A_343 = arith.constant 1 : i32
          %get3A_344 = arith.index_cast %get3A_343 : i32 to index
          %get3A_345 = arith.index_cast %add3A_342 : i32 to index
          %get3A_346 = arith.constant 16 : index
          %get3A_347 = tpu.vector_load %arg6[%get3A_344, %get3A_345, %get3A_346] {strides = array<i32>} : memref<2x1280x32xf32, #tpu.memory_space<vmem>>, vector<16xf32>,
          %add3A_348 = arith.addi %mul3A_305, %mul3A_316 : i32
          %add3A_349 = arith.constant 2 : i32
          %add3A_350 = arith.addi %add3A_348, %add3A_349 : i32
          %get3A_351 = arith.constant 1 : i32
          %get3A_352 = arith.index_cast %get3A_351 : i32 to index
          %get3A_353 = arith.index_cast %add3A_350 : i32 to index
          %get3A_354 = arith.constant 0 : index
          %get3A_355 = tpu.vector_load %arg6[%get3A_352, %get3A_353, %get3A_354] {strides = array<i32>} : memref<2x1280x32xf32, #tpu.memory_space<vmem>>, vector<16xf32>,
          %add3A_356 = arith.addi %mul3A_305, %mul3A_316 : i32
          %add3A_357 = arith.constant 2 : i32
          %add3A_358 = arith.addi %add3A_356, %add3A_357 : i32
          %get3A_359 = arith.constant 1 : i32
          %get3A_360 = arith.index_cast %get3A_359 : i32 to index
          %get3A_361 = arith.index_cast %add3A_358 : i32 to index
          %get3A_362 = arith.constant 16 : index
          %get3A_363 = tpu.vector_load %arg6[%get3A_360, %get3A_361, %get3A_362] {strides = array<i32>} : memref<2x1280x32xf32, #tpu.memory_space<vmem>>, vector<16xf32>,
          %add3A_364 = arith.addi %mul3A_305, %mul3A_316 : i32
          %add3A_365 = arith.constant 3 : i32
          %add3A_366 = arith.addi %add3A_364, %add3A_365 : i32
          %get3A_367 = arith.constant 1 : i32
          %get3A_368 = arith.index_cast %get3A_367 : i32 to index
          %get3A_369 = arith.index_cast %add3A_366 : i32 to index
          %get3A_370 = arith.constant 0 : index
          %get3A_371 = tpu.vector_load %arg6[%get3A_368, %get3A_369, %get3A_370] {strides = array<i32>} : memref<2x1280x32xf32, #tpu.memory_space<vmem>>, vector<16xf32>,
          %add3A_372 = arith.addi %mul3A_305, %mul3A_316 : i32
          %add3A_373 = arith.constant 3 : i32
          %add3A_374 = arith.addi %add3A_372, %add3A_373 : i32
          %get3A_375 = arith.constant 1 : i32
          %get3A_376 = arith.index_cast %get3A_375 : i32 to index
          %get3A_377 = arith.index_cast %add3A_374 : i32 to index
          %get3A_378 = arith.constant 16 : index
          %get3A_379 = tpu.vector_load %arg6[%get3A_376, %get3A_377, %get3A_378] {strides = array<i32>} : memref<2x1280x32xf32, #tpu.memory_space<vmem>>, vector<16xf32>,
          %add3A_380 = arith.addi %mul3A_305, %mul3A_316 : i32
          %add3A_381 = arith.constant 4 : i32
          %add3A_382 = arith.addi %add3A_380, %add3A_381 : i32
          %get3A_383 = arith.constant 1 : i32
          %get3A_384 = arith.index_cast %get3A_383 : i32 to index
          %get3A_385 = arith.index_cast %add3A_382 : i32 to index
          %get3A_386 = arith.constant 0 : index
          %get3A_387 = tpu.vector_load %arg6[%get3A_384, %get3A_385, %get3A_386] {strides = array<i32>} : memref<2x1280x32xf32, #tpu.memory_space<vmem>>, vector<16xf32>,
          %add3A_388 = arith.addi %mul3A_305, %mul3A_316 : i32
          %add3A_389 = arith.constant 4 : i32
          %add3A_390 = arith.addi %add3A_388, %add3A_389 : i32
          %get3A_391 = arith.constant 1 : i32
          %get3A_392 = arith.index_cast %get3A_391 : i32 to index
          %get3A_393 = arith.index_cast %add3A_390 : i32 to index
          %get3A_394 = arith.constant 16 : index
          %get3A_395 = tpu.vector_load %arg6[%get3A_392, %get3A_393, %get3A_394] {strides = array<i32>} : memref<2x1280x32xf32, #tpu.memory_space<vmem>>, vector<16xf32>,
          %add3A_396 = arith.addi %mul3A_305, %mul3A_316 : i32
          %add3A_397 = arith.constant 5 : i32
          %add3A_398 = arith.addi %add3A_396, %add3A_397 : i32
          %get3A_399 = arith.constant 1 : i32
          %get3A_400 = arith.index_cast %get3A_399 : i32 to index
          %get3A_401 = arith.index_cast %add3A_398 : i32 to index
          %get3A_402 = arith.constant 0 : index
          %get3A_403 = tpu.vector_load %arg6[%get3A_400, %get3A_401, %get3A_402] {strides = array<i32>} : memref<2x1280x32xf32, #tpu.memory_space<vmem>>, vector<16xf32>,
          %add3A_404 = arith.addi %mul3A_305, %mul3A_316 : i32
          %add3A_405 = arith.constant 5 : i32
          %add3A_406 = arith.addi %add3A_404, %add3A_405 : i32
          %get3A_407 = arith.constant 1 : i32
          %get3A_408 = arith.index_cast %get3A_407 : i32 to index
          %get3A_409 = arith.index_cast %add3A_406 : i32 to index
          %get3A_410 = arith.constant 16 : index
          %get3A_411 = tpu.vector_load %arg6[%get3A_408, %get3A_409, %get3A_410] {strides = array<i32>} : memref<2x1280x32xf32, #tpu.memory_space<vmem>>, vector<16xf32>,
          %add3A_412 = arith.addi %mul3A_305, %mul3A_316 : i32
          %add3A_413 = arith.constant 6 : i32
          %add3A_414 = arith.addi %add3A_412, %add3A_413 : i32
          %get3A_415 = arith.constant 1 : i32
          %get3A_416 = arith.index_cast %get3A_415 : i32 to index
          %get3A_417 = arith.index_cast %add3A_414 : i32 to index
          %get3A_418 = arith.constant 0 : index
          %get3A_419 = tpu.vector_load %arg6[%get3A_416, %get3A_417, %get3A_418] {strides = array<i32>} : memref<2x1280x32xf32, #tpu.memory_space<vmem>>, vector<16xf32>,
          %add3A_420 = arith.addi %mul3A_305, %mul3A_316 : i32
          %add3A_421 = arith.constant 6 : i32
          %add3A_422 = arith.addi %add3A_420, %add3A_421 : i32
          %get3A_423 = arith.constant 1 : i32
          %get3A_424 = arith.index_cast %get3A_423 : i32 to index
          %get3A_425 = arith.index_cast %add3A_422 : i32 to index
          %get3A_426 = arith.constant 16 : index
          %get3A_427 = tpu.vector_load %arg6[%get3A_424, %get3A_425, %get3A_426] {strides = array<i32>} : memref<2x1280x32xf32, #tpu.memory_space<vmem>>, vector<16xf32>,
          %add3A_428 = arith.addi %mul3A_305, %mul3A_316 : i32
          %add3A_429 = arith.constant 7 : i32
          %add3A_430 = arith.addi %add3A_428, %add3A_429 : i32
          %get3A_431 = arith.constant 1 : i32
          %get3A_432 = arith.index_cast %get3A_431 : i32 to index
          %get3A_433 = arith.index_cast %add3A_430 : i32 to index
          %get3A_434 = arith.constant 0 : index
          %get3A_435 = tpu.vector_load %arg6[%get3A_432, %get3A_433, %get3A_434] {strides = array<i32>} : memref<2x1280x32xf32, #tpu.memory_space<vmem>>, vector<16xf32>,
          %add3A_436 = arith.addi %mul3A_305, %mul3A_316 : i32
          %add3A_437 = arith.constant 7 : i32
          %add3A_438 = arith.addi %add3A_436, %add3A_437 : i32
          %get3A_439 = arith.constant 1 : i32
          %get3A_440 = arith.index_cast %get3A_439 : i32 to index
          %get3A_441 = arith.index_cast %add3A_438 : i32 to index
          %get3A_442 = arith.constant 16 : index
          %get3A_443 = tpu.vector_load %arg6[%get3A_440, %get3A_441, %get3A_442] {strides = array<i32>} : memref<2x1280x32xf32, #tpu.memory_space<vmem>>, vector<16xf32>,
          %broadcast_in_dim3A_444 = arith.constant 0 : i32
          %broadcast_in_dim3A_445 = vector.broadcast %broadcast_in_dim3A_444 : i32 to vector<16xi32>
          %add3A_446 = arith.constant 0 : i32
          %add3A_447 = arith.addi %mul3A_316, %add3A_446 : i32
          %add3A_448 = vector.broadcast %add3A_447 : i32 to vector<16xi32>
          %add3A_449 = arith.addi %broadcast_in_dim3A_445, %add3A_448 : vector<16xi32>
          tpu.vector_store_idx %arg7[%add3A_308, %select_n3A, %select_n3A_85, %add3A_449], %get3A_323 : memref<10x4x8x129xf32, #tpu.memory_space<vmem>>[vector<16xi32>, vector<16xi32>, vector<16xi32>, vector<16xi32>], vector<16xf32>,
          tpu.vector_store_idx %arg7[%add3A_308, %select_n3A_62, %select_n3A_110, %add3A_449], %get3A_331 : memref<10x4x8x129xf32, #tpu.memory_space<vmem>>[vector<16xi32>, vector<16xi32>, vector<16xi32>, vector<16xi32>], vector<16xf32>,
          %broadcast_in_dim3A_450 = arith.constant 0 : i32
          %broadcast_in_dim3A_451 = vector.broadcast %broadcast_in_dim3A_450 : i32 to vector<16xi32>
          %add3A_452 = arith.constant 1 : i32
          %add3A_453 = arith.addi %mul3A_316, %add3A_452 : i32
          %add3A_454 = vector.broadcast %add3A_453 : i32 to vector<16xi32>
          %add3A_455 = arith.addi %broadcast_in_dim3A_451, %add3A_454 : vector<16xi32>
          tpu.vector_store_idx %arg7[%add3A_308, %select_n3A, %select_n3A_85, %add3A_455], %get3A_339 : memref<10x4x8x129xf32, #tpu.memory_space<vmem>>[vector<16xi32>, vector<16xi32>, vector<16xi32>, vector<16xi32>], vector<16xf32>,
          tpu.vector_store_idx %arg7[%add3A_308, %select_n3A_62, %select_n3A_110, %add3A_455], %get3A_347 : memref<10x4x8x129xf32, #tpu.memory_space<vmem>>[vector<16xi32>, vector<16xi32>, vector<16xi32>, vector<16xi32>], vector<16xf32>,
          %broadcast_in_dim3A_456 = arith.constant 0 : i32
          %broadcast_in_dim3A_457 = vector.broadcast %broadcast_in_dim3A_456 : i32 to vector<16xi32>
          %add3A_458 = arith.constant 2 : i32
          %add3A_459 = arith.addi %mul3A_316, %add3A_458 : i32
          %add3A_460 = vector.broadcast %add3A_459 : i32 to vector<16xi32>
          %add3A_461 = arith.addi %broadcast_in_dim3A_457, %add3A_460 : vector<16xi32>
          tpu.vector_store_idx %arg7[%add3A_308, %select_n3A, %select_n3A_85, %add3A_461], %get3A_355 : memref<10x4x8x129xf32, #tpu.memory_space<vmem>>[vector<16xi32>, vector<16xi32>, vector<16xi32>, vector<16xi32>], vector<16xf32>,
          tpu.vector_store_idx %arg7[%add3A_308, %select_n3A_62, %select_n3A_110, %add3A_461], %get3A_363 : memref<10x4x8x129xf32, #tpu.memory_space<vmem>>[vector<16xi32>, vector<16xi32>, vector<16xi32>, vector<16xi32>], vector<16xf32>,
          %broadcast_in_dim3A_462 = arith.constant 0 : i32
          %broadcast_in_dim3A_463 = vector.broadcast %broadcast_in_dim3A_462 : i32 to vector<16xi32>
          %add3A_464 = arith.constant 3 : i32
          %add3A_465 = arith.addi %mul3A_316, %add3A_464 : i32
          %add3A_466 = vector.broadcast %add3A_465 : i32 to vector<16xi32>
          %add3A_467 = arith.addi %broadcast_in_dim3A_463, %add3A_466 : vector<16xi32>
          tpu.vector_store_idx %arg7[%add3A_308, %select_n3A, %select_n3A_85, %add3A_467], %get3A_371 : memref<10x4x8x129xf32, #tpu.memory_space<vmem>>[vector<16xi32>, vector<16xi32>, vector<16xi32>, vector<16xi32>], vector<16xf32>,
          tpu.vector_store_idx %arg7[%add3A_308, %select_n3A_62, %select_n3A_110, %add3A_467], %get3A_379 : memref<10x4x8x129xf32, #tpu.memory_space<vmem>>[vector<16xi32>, vector<16xi32>, vector<16xi32>, vector<16xi32>], vector<16xf32>,
          %broadcast_in_dim3A_468 = arith.constant 0 : i32
          %broadcast_in_dim3A_469 = vector.broadcast %broadcast_in_dim3A_468 : i32 to vector<16xi32>
          %add3A_470 = arith.constant 4 : i32
          %add3A_471 = arith.addi %mul3A_316, %add3A_470 : i32
          %add3A_472 = vector.broadcast %add3A_471 : i32 to vector<16xi32>
          %add3A_473 = arith.addi %broadcast_in_dim3A_469, %add3A_472 : vector<16xi32>
          tpu.vector_store_idx %arg7[%add3A_308, %select_n3A, %select_n3A_85, %add3A_473], %get3A_387 : memref<10x4x8x129xf32, #tpu.memory_space<vmem>>[vector<16xi32>, vector<16xi32>, vector<16xi32>, vector<16xi32>], vector<16xf32>,
          tpu.vector_store_idx %arg7[%add3A_308, %select_n3A_62, %select_n3A_110, %add3A_473], %get3A_395 : memref<10x4x8x129xf32, #tpu.memory_space<vmem>>[vector<16xi32>, vector<16xi32>, vector<16xi32>, vector<16xi32>], vector<16xf32>,
          %broadcast_in_dim3A_474 = arith.constant 0 : i32
          %broadcast_in_dim3A_475 = vector.broadcast %broadcast_in_dim3A_474 : i32 to vector<16xi32>
          %add3A_476 = arith.constant 5 : i32
          %add3A_477 = arith.addi %mul3A_316, %add3A_476 : i32
          %add3A_478 = vector.broadcast %add3A_477 : i32 to vector<16xi32>
          %add3A_479 = arith.addi %broadcast_in_dim3A_475, %add3A_478 : vector<16xi32>
          tpu.vector_store_idx %arg7[%add3A_308, %select_n3A, %select_n3A_85, %add3A_479], %get3A_403 : memref<10x4x8x129xf32, #tpu.memory_space<vmem>>[vector<16xi32>, vector<16xi32>, vector<16xi32>, vector<16xi32>], vector<16xf32>,
          tpu.vector_store_idx %arg7[%add3A_308, %select_n3A_62, %select_n3A_110, %add3A_479], %get3A_411 : memref<10x4x8x129xf32, #tpu.memory_space<vmem>>[vector<16xi32>, vector<16xi32>, vector<16xi32>, vector<16xi32>], vector<16xf32>,
          %broadcast_in_dim3A_480 = arith.constant 0 : i32
          %broadcast_in_dim3A_481 = vector.broadcast %broadcast_in_dim3A_480 : i32 to vector<16xi32>
          %add3A_482 = arith.constant 6 : i32
          %add3A_483 = arith.addi %mul3A_316, %add3A_482 : i32
          %add3A_484 = vector.broadcast %add3A_483 : i32 to vector<16xi32>
          %add3A_485 = arith.addi %broadcast_in_dim3A_481, %add3A_484 : vector<16xi32>
          tpu.vector_store_idx %arg7[%add3A_308, %select_n3A, %select_n3A_85, %add3A_485], %get3A_419 : memref<10x4x8x129xf32, #tpu.memory_space<vmem>>[vector<16xi32>, vector<16xi32>, vector<16xi32>, vector<16xi32>], vector<16xf32>,
          tpu.vector_store_idx %arg7[%add3A_308, %select_n3A_62, %select_n3A_110, %add3A_485], %get3A_427 : memref<10x4x8x129xf32, #tpu.memory_space<vmem>>[vector<16xi32>, vector<16xi32>, vector<16xi32>, vector<16xi32>], vector<16xf32>,
          %broadcast_in_dim3A_486 = arith.constant 0 : i32
          %broadcast_in_dim3A_487 = vector.broadcast %broadcast_in_dim3A_486 : i32 to vector<16xi32>
          %add3A_488 = arith.constant 7 : i32
          %add3A_489 = arith.addi %mul3A_316, %add3A_488 : i32
          %add3A_490 = vector.broadcast %add3A_489 : i32 to vector<16xi32>
          %add3A_491 = arith.addi %broadcast_in_dim3A_487, %add3A_490 : vector<16xi32>
          tpu.vector_store_idx %arg7[%add3A_308, %select_n3A, %select_n3A_85, %add3A_491], %get3A_435 : memref<10x4x8x129xf32, #tpu.memory_space<vmem>>[vector<16xi32>, vector<16xi32>, vector<16xi32>, vector<16xi32>], vector<16xf32>,
          tpu.vector_store_idx %arg7[%add3A_308, %select_n3A_62, %select_n3A_110, %add3A_491], %get3A_443 : memref<10x4x8x129xf32, #tpu.memory_space<vmem>>[vector<16xi32>, vector<16xi32>, vector<16xi32>, vector<16xi32>], vector<16xf32>,
        }
        %scan3A_313 = arith.constant 16 : i32
      }
      %scan3A_280 = arith.constant 10 : i32
      %mul3A_281 = arith.constant 10 : i32
      %mul3A_282 = arith.muli %add3A_243, %mul3A_281 : i32
      %dma_start3A_283 = arith.constant 0 : i32
      %dma_start3A_284 = arith.constant 0 : i32
      %dma_start3A_285 = arith.constant 0 : i32
      %dma_start3A_286 = arith.constant 0 : i32
      %dma_start3A_287 = tpu.memref_slice %arg7[%dma_start3A_283, %dma_start3A_284, %dma_start3A_285, %dma_start3A_286] : memref<10x4x8x129xf32, #tpu.memory_space<vmem>> -> memref<10x4x8x128xf32, #tpu.memory_space<vmem>>
      %dma_start3A_288 = arith.constant 0 : i32
      %dma_start3A_289 = arith.constant 0 : i32
      %dma_start3A_290 = arith.constant 0 : i32
      %dma_start3A_291 = tpu.memref_slice %arg4[%mul3A_282, %dma_start3A_288, %add3A, %dma_start3A_289, %dma_start3A_290] : memref<200x4x32x8x128xf32, #tpu.memory_space<hbm>> -> memref<10x4x1x8x128xf32, #tpu.memory_space<hbm>>
      %dma_start3A_292 = tpu.memref_squeeze %dma_start3A_291 : memref<10x4x1x8x128xf32, #tpu.memory_space<hbm>> -> memref<10x4x8x128xf32, #tpu.memory_space<hbm>>
      %dma_start3A_293 = arith.constant 0 : i32
      %dma_start3A_294 = arith.constant 0 : i32
      %dma_start3A_295 = arith.constant 0 : i32
      %dma_start3A_296 = tpu.memref_slice %arg4[%mul3A_282, %dma_start3A_293, %add3A, %dma_start3A_294, %dma_start3A_295] : memref<200x4x32x8x128xf32, #tpu.memory_space<hbm>> -> memref<10x4x1x8x128xf32, #tpu.memory_space<hbm>>
      %dma_start3A_297 = tpu.memref_squeeze %dma_start3A_296 : memref<10x4x1x8x128xf32, #tpu.memory_space<hbm>> -> memref<10x4x8x128xf32, #tpu.memory_space<hbm>>
      %dma_start3A_298 = arith.constant 0 : i32
      %dma_start3A_299 = arith.constant 0 : i32
      %dma_start3A_300 = arith.constant 0 : i32
      %dma_start3A_301 = arith.constant 0 : i32
      %dma_start3A_302 = tpu.memref_slice %arg7[%dma_start3A_298, %dma_start3A_299, %dma_start3A_300, %dma_start3A_301] : memref<10x4x8x129xf32, #tpu.memory_space<vmem>> -> memref<10x4x8x128xf32, #tpu.memory_space<vmem>>
      tpu.enqueue_dma source(%dma_start3A_302 : memref<10x4x8x128xf32, #tpu.memory_space<vmem>>) target(%dma_start3A_297 : memref<10x4x8x128xf32, #tpu.memory_space<hbm>>) target_semaphore(%arg10 : memref<!tpu.dma_semaphore, #tpu.memory_space<semaphore_mem>>)
    }
    %scan3A_156 = arith.constant 10 : i32
    %dma_wait3A_157 = arith.constant 0 : i32
    %dma_wait3A_158 = arith.constant 0 : i32
    %dma_wait3A_159 = arith.constant 0 : i32
    %dma_wait3A_160 = arith.constant 0 : i32
    %dma_wait3A_161 = tpu.memref_slice %arg7[%dma_wait3A_157, %dma_wait3A_158, %dma_wait3A_159, %dma_wait3A_160] : memref<10x4x8x129xf32, #tpu.memory_space<vmem>> -> memref<10x4x8x128xf32, #tpu.memory_space<vmem>>
    %dma_wait3A_162 = arith.constant 0 : i32
    %dma_wait3A_163 = arith.constant 0 : i32
    %dma_wait3A_164 = arith.constant 0 : i32
    %dma_wait3A_165 = arith.constant 0 : i32
    %dma_wait3A_166 = tpu.memref_slice %arg4[%dma_wait3A_162, %dma_wait3A_163, %add3A, %dma_wait3A_164, %dma_wait3A_165] : memref<200x4x32x8x128xf32, #tpu.memory_space<hbm>> -> memref<10x4x1x8x128xf32, #tpu.memory_space<hbm>>
    %dma_wait3A_167 = tpu.memref_squeeze %dma_wait3A_166 : memref<10x4x1x8x128xf32, #tpu.memory_space<hbm>> -> memref<10x4x8x128xf32, #tpu.memory_space<hbm>>
    %dma_wait3A_168 = arith.constant 0 : i32
    %dma_wait3A_169 = arith.constant 0 : i32
    %dma_wait3A_170 = arith.constant 0 : i32
    %dma_wait3A_171 = arith.constant 0 : i32
    %dma_wait3A_172 = tpu.memref_slice %arg4[%dma_wait3A_168, %dma_wait3A_169, %add3A, %dma_wait3A_170, %dma_wait3A_171] : memref<200x4x32x8x128xf32, #tpu.memory_space<hbm>> -> memref<10x4x1x8x128xf32, #tpu.memory_space<hbm>>
    %dma_wait3A_173 = tpu.memref_squeeze %dma_wait3A_172 : memref<10x4x1x8x128xf32, #tpu.memory_space<hbm>> -> memref<10x4x8x128xf32, #tpu.memory_space<hbm>>
    %dma_wait3A_174 = arith.constant 0 : i32
    %dma_wait3A_175 = arith.constant 0 : i32
    %dma_wait3A_176 = arith.constant 0 : i32
    %dma_wait3A_177 = arith.constant 0 : i32
    %dma_wait3A_178 = tpu.memref_slice %arg7[%dma_wait3A_174, %dma_wait3A_175, %dma_wait3A_176, %dma_wait3A_177] : memref<10x4x8x129xf32, #tpu.memory_space<vmem>> -> memref<10x4x8x128xf32, #tpu.memory_space<vmem>>
    tpu.wait_dma2 semaphore(%arg10 : memref<!tpu.dma_semaphore, #tpu.memory_space<semaphore_mem>>) src(%dma_wait3A_178 : memref<10x4x8x128xf32, #tpu.memory_space<vmem>>) dst(%dma_wait3A_173 : memref<10x4x8x128xf32, #tpu.memory_space<hbm>>)
    return
  }
}

</mosaic_0001>

<sc_bundles>
// kernel: kernel.3.cloned.1.call-start
scs
__scs_entry_jumppad:
0x0: {  	(pc) =	sbr.rel $0x88, $3  }
0x1: {  	(tag) =	ssettag $0x0;
	lr =	simm.s32 $0x1  }
0x2: {  	[smem:$0x3F9F] =	sst lr;
	_ =	strace $0xD0000000  }
0x3: {  	_ = 	snop  }
0x4: {  	_ = 	snop  }
0x5: {  	_ = 	snop  }
0x6: {  	_ = 	snop  }
0x7: {  	_ = 	snop  }
__scs_overlays_trampoline_lowered:
0x8: {  	[smem:$0x3FAE] =	sst s0  }
0x9: {  	[smem:$0x3FAF] =	sst s1  }
0xa: {  	[smem:$0x3FB0] =	sst s2  }
0xb: {  	[smem:$0x3FB1] =	sst s3  }
0xc: {  	[smem:$0x3FB2] =	sst s4  }
0xd: {  	[smem:$0x3FB3] =	sst s5  }
0xe: {  	[smem:$0x3FB4] =	sst s6  }
0xf: {  	[smem:$0x3FB5] =	sst s7  }
0x10: {  	[smem:$0x3FB6] =	sst s8  }
0x11: {  	[smem:$0x3FB7] =	sst s9;
	s0 =	simm.s32 @!p0 $0x0  }
0x12: {  	s1 =	sld [smem:$0x3F9D];
	s0 =	simm.s32 @p0 $0x1  }
0x13: {  	[smem:$0x3FB8] =	sst s0;
	s0 =	simm.s32 @!p1 $0x0  }
0x14: {  	s2 =	sld [smem:$0x3F9C];
	s0 =	simm.s32 @p1 $0x1  }
0x15: {  	[smem:$0x3FB9] =	sst s0;
	s0 =	simm.s32 @!p2 $0x0  }
0x16: {  	s3 =	sld [smem:$0x3FDB];
	s0 =	simm.s32 @p2 $0x1  }
0x17: {  	s4 =	simm.s32 $0x1BF5;
	[smem:$0x3FBB] =	sst s0  }
0x18: {  	s0 =	sld [smem:$0x3F9E];
	_ =	swait.ge [sflag:s4], $0x0  }
0x19: {  	s7 =	sld [smem:$0x3F9F]  }
0x1a: {  	s8 =	sadd.s32 $0xFFFFE003, lr  }
0x1b: {  	s9 =	sadd.s32 $0xFFFFFEF7, lr;
	s5 =	simm.s32 $0xFFFFFFFF;
	p2 =	slt.u32 s8, $0xFFFFF086  }
0x1c: {  	p1 =	slt.u32 s9, $0xF7A;
	s5 =	simm.s32 @!p2 $0x0  }
0x1d: {  	s5 =	simm.s32 @p1 $0x1;
	p0 =	seq.s32 s7, s2  }
0x1e: {  	s7 =	smul.u32 @!p0 $0xF7A, s2;
	p2 =	seq.s32 @!p0 s5, $0x0  }
0x1f: {  	s9 =	smul.u32 $0xF7A, s1;
	s8 =	simm.s32 @!p0 $0x1BF5;
	p2 =	por !p2, p0  }
0x20: {  	[sflag:s8] =	ssyncset.s32 @!p0 $0xFFFFF086;
	s6 =	sadd.s32 @!p0 s3, s7;
	s7 =	simm.s32 @!p0 $0x108  }
0x21: {  	s3 =	sadd.s32 s3, s9;
	s6 =	sadd.s32 @!p0 $0x88, s6;
	s7 =	simm.s32 @p2 $0x1082  }
0x22: {  	[simem:s7], [sflag:s8] =	dma.local @!p0 [hbm:s6], $0xF7A  }
0x23: {  	s9 =	sor.u32 $0xD0000000, s2;
	s6 =	simm.s32 $0x108;
	_ =	swait.ge @!p0 [sflag:s8], $0x0  }
0x24: {  	s3 =	sadd.s32 $0x88, s3;
	s6 =	simm.s32 @!p1 $0x1082;
	[sflag:s4] =	ssyncset.s32 $0xFFFFF086  }
0x25: {  	[simem:s6], [sflag:s4] =	dma.local [hbm:s3], $0xF7A  }
0x26: {  	[smem:$0x3F9F] =	sst s1;
	(tag) =	ssettag s2;
	_ =	strace s9  }
0x27: {  	s1 =	sld [smem:$0x3FAF]  }
0x28: {  	s2 =	sld [smem:$0x3FB0]  }
0x29: {  	s4 =	sld [smem:$0x3FB2]  }
0x2a: {  	p0 =	seq.s32 s5, $0x0;
	s5 =	sld [smem:$0x3FB3]  }
0x2b: {  	s6 =	sld [smem:$0x3FB4]  }
0x2c: {  	s7 =	sld [smem:$0x3FB5]  }
0x2d: {  	s3 =	simm.s32 $0x108;
	s8 =	sld [smem:$0x3FB6]  }
0x2e: {  	s3 =	simm.s32 @!p0 $0x1082;
	s9 =	sld [smem:$0x3FB7]  }
0x2f: {  	lr =	sadd.s32 s0, s3;
	s0 =	sld [smem:$0x3FAE]  }
0x30: {  	s3 =	sld [smem:$0x3FB1]  }
0x31: {  	[smem:$0x3FBA] =	sst s10  }
0x32: {  	s10 =	sld [smem:$0x3FB8];
	_ =	sdelay $0x3  }
0x33: {  	p0 =	seq.s32 s10, $0x1;
	s10 =	sld [smem:$0x3FBA];
	_ =	sdelay $0x3  }
0x34: {  	[smem:$0x3FBA] =	sst s10  }
0x35: {  	s10 =	sld [smem:$0x3FB9];
	_ =	sdelay $0x3  }
0x36: {  	p1 =	seq.s32 s10, $0x1;
	s10 =	sld [smem:$0x3FBA];
	_ =	sdelay $0x3  }
0x37: {  	[smem:$0x3FBA] =	sst s10  }
0x38: {  	s10 =	sld [smem:$0x3FBB]  }
0x39: {  	_ = 	snop;
	(pc) =	sbr.ind lr, $3  }
0x3a: {  	_ = 	snop  }
0x3b: {  	_ = 	snop  }
0x3c: {  	p2 =	seq.s32 s10, $0x1;
	s10 =	sld [smem:$0x3FBA]  }
0x3d: {  	_ =	shalt  }
0x3e: {  	_ =	shalt  }
0x3f: {  	_ =	shalt  }
0x40: {  	_ =	shalt  }
0x41: {  	_ =	shalt  }
0x42: {  	_ =	shalt  }
0x43: {  	_ =	shalt  }
0x44: {  	_ =	shalt  }
0x45: {  	_ =	shalt  }
0x46: {  	_ =	shalt  }
0x47: {  	_ =	shalt  }
0x48: {  	_ =	shalt  }
0x49: {  	_ =	shalt  }
0x4a: {  	_ =	shalt  }
0x4b: {  	_ =	shalt  }
0x4c: {  	_ =	shalt  }
0x4d: {  	_ =	shalt  }
0x4e: {  	_ =	shalt  }
0x4f: {  	_ =	shalt  }
0x50: {  	_ =	shalt  }
0x51: {  	_ =	shalt  }
0x52: {  	_ =	shalt  }
0x53: {  	_ =	shalt  }
0x54: {  	_ =	shalt  }
0x55: {  	_ =	shalt  }
0x56: {  	_ =	shalt  }
0x57: {  	_ =	shalt  }
0x58: {  	_ =	shalt  }
0x59: {  	_ =	shalt  }
0x5a: {  	_ =	shalt  }
0x5b: {  	_ =	shalt  }
0x5c: {  	_ =	shalt  }
0x5d: {  	_ =	shalt  }
0x5e: {  	_ =	shalt  }
0x5f: {  	_ =	shalt  }
0x60: {  	_ =	shalt  }
0x61: {  	_ =	shalt  }
0x62: {  	_ =	shalt  }
0x63: {  	_ =	shalt  }
0x64: {  	_ =	shalt  }
0x65: {  	_ =	shalt  }
0x66: {  	_ =	shalt  }
0x67: {  	_ =	shalt  }
0x68: {  	_ =	shalt  }
0x69: {  	_ =	shalt  }
0x6a: {  	_ =	shalt  }
0x6b: {  	_ =	shalt  }
0x6c: {  	_ =	shalt  }
0x6d: {  	_ =	shalt  }
0x6e: {  	_ =	shalt  }
0x6f: {  	_ =	shalt  }
0x70: {  	_ =	shalt  }
0x71: {  	_ =	shalt  }
0x72: {  	_ =	shalt  }
0x73: {  	_ =	shalt  }
0x74: {  	_ =	shalt  }
0x75: {  	_ =	shalt  }
0x76: {  	_ =	shalt  }
0x77: {  	_ =	shalt  }
0x78: {  	_ =	shalt  }
0x79: {  	_ =	shalt  }
0x7a: {  	_ =	shalt  }
0x7b: {  	_ =	shalt  }
0x7c: {  	_ =	shalt  }
0x7d: {  	_ =	shalt  }
0x7e: {  	_ =	shalt  }
0x7f: {  	_ =	shalt  }
0x80: {  	_ =	shalt  }
0x81: {  	_ =	shalt  }
0x82: {  	_ =	shalt  }
0x83: {  	_ =	shalt  }
0x84: {  	_ =	shalt  }
0x85: {  	_ =	shalt  }
0x86: {  	_ =	shalt  }
0x87: {  	_ =	shalt  }
.Lfunc_end0:
.L_simem_size_0:
called_computation_lowered:
.L_overlay_start_0:
0x88: {  	s2 =	sld [smem:$0x3FD9]  }
0x89: {  	s3 =	sld [smem:$0x3FFE];
	_ =	sdelay $0x1  }
0x8a: {  	s1 =	srdreg.scid  }
0x8b: {  	s0 =	sand.u32 $0x1, s1  }
0x8c: {  	s17 =	sshll.u32 s0, $0xA;
	s2 =	sadd.s32 s3, s2  }
0x8d: {  	s2 =	sadd.s32 s2, s17  }
0x8e: {  	[smem:$0x3FC6] =	sst s2  }
0x8f: {  	_ = 	snop  }
0x90: {  	s2 =	sld [smem:$0x3FD0];
	(tm) =	ssettm $0x1  }
0x91: {  	s18 =	sld [smem:$0x3FFB];
	_ =	sdelay $0x3  }
0x92: {  	_ =	strace s18  }
0x93: {  	s3 =	sld [smem:$0x3FFC];
	_ =	sdelay $0x3  }
0x94: {  	_ =	strace s3  }
0x95: {  	s3 =	sld [smem:$0x3FFD];
	_ =	sdelay $0x3  }
0x96: {  	_ =	strace s3  }
0x97: {  	_ =	strace $0x8FFFFFFF  }
0x98: {  	s19 =	sld [smem:$0x3FDB];
	_ =	sdelay $0x1  }
0x99: {  	s4 =	simm.s32 $_scs_section_size  }
0x9a: {  	s5 =	simm.s32 $_size__tile_overlayer_lowered;
	s6 =	simm.s32 $_tile_overlayer_lowered  }
0x9b: {  	s22 =	simm.s32 $0x1BFF;
	s21 =	sshll.u32 s6, $0x1;
	s3 =	sadd.s32 s4, s19  }
0x9c: {  	s7 =	simm.s32 $0x0;
	s20 =	sshll.u32 s5, $0x1;
	s5 =	sadd.s32 s21, s3  }
0x9d: {  	[timem:s7], [sflag:s22] =	dma.local [hbm:s5], s20  }
0x9e: {  	_ =	swait.ge [sflag:s22], s20  }
0x9f: {  	s4 =	ssub.s32 $0x0, s20;
	[sflag:s22] =	ssyncset.done $0x0  }
0xa0: {  	[sflag:s22] =	ssyncadd.s32 s4;
	_ =	sdelay $0x1  }
0xa1: {  	s23 =	simm.s32 $0x1B8B  }
0xa2: {  	_ =	swait.ge [sflag:s23], $0x1  }
0xa3: {  	[sflag:s23] =	ssyncset.done $0x0  }
0xa4: {  	s25 =	simm.s32 $0x1B8E;
	s24 =	sld [smem:$0x3FFE];
	[sflag:s23] =	ssyncadd.s32 $0xFFFFFFFF  }
0xa5: {  	s26 =	simm.s32 $execute0_lowered;
	[smem:$0x3FD2] =	sst s25  }
0xa6: {  	s5 =	sshll.u32 s26, $0x1;
	_ =	strace $0x80000046;
	[dreg:$0x1] =	wrdreg $0xFFFFFFFF  }
0xa7: {  	s28 =	simm.s32 $_size_execute0_lowered;
	s3 =	sadd.s32 s3, s5;
	[dreg:$0x0] =	wrdreg $0x0  }
0xa8: {  	s5 =	sshll.u32 s28, $0x1;
	[dreg:$0x2] =	wrdreg s3  }
0xa9: {  	[dreg:$0x3] =	wrdreg s5  }
0xaa: {  	[dreg:$0x4] =	wrdreg $0xC0  }
0xab: {  	_ =	task [dreg:s7], $0x5FFFF  }
0xac: {  	[dreg:$0x1] =	wrdreg $0xFFFFFFFF  }
0xad: {  	[dreg:$0x0] =	wrdreg $0x60  }
0xae: {  	[dreg:$0x2] =	wrdreg s24  }
0xaf: {  	[dreg:$0x3] =	wrdreg s2  }
0xb0: {  	[dreg:$0x4] =	wrdreg $0x9  }
0xb1: {  	_ =	task.clear_ibuf [dreg:s7], $0x5FFFF;
	_ =	strace $0x90000046  }
0xb2: {  	s29 =	simm.s32 $0x9;
	_ =	strace $0x80000048  }
0xb3: {  	_ =	swait.ge [sflag:s29], $0x1  }
0xb4: {  	[sflag:s29] =	ssyncadd.s32 $0xFFFFFFFF  }
0xb5: {  	_ =	strace $0x90000048  }
0xb6: {  	_ =	sfence  }
0xb7: {  	s30 =	sld [smem:$0x0];
	_ =	sdelay $0x2  }
0xb8: {  	s31 =	sshll.u32 s1, $0xD;
	s1 =	sshrl.u32 s1, $0x2  }
0xb9: {  	s3 =	sand.u32 $0x4000, s31;
	s1 =	sadd.s32 s1, s30  }
0xba: {  	s0 =	sor.u32 s3, s0;
	s1 =	sshll.u32 s1, $0x11  }
0xbb: {  	s0 =	sor.u32 s1, s0  }
0xbc: {  	s0 =	sadd.s32 $0x8F2B, s0  }
0xbd: {  	[sflag:s0] =	ssyncadd.remote.s32 $0x1  }
0xbe: {  	_ =	sfence.sel $0xFFFF  }
0xbf: {  	[dreg:$0x0] =	wrdreg $0xFFFFFFFF;
	(pc) =	sbr.abs _section_cstart, $3  }
0xc0: {  	[dreg:$0x1] =	wrdreg $0xFFFFFFFF  }
0xc1: {  	_ =	task.clear_ibuf [dreg:s7], $0x2FFFF;
	_ =	strace $0x9FFFFFFF  }
0xc2: {  	(tm) =	ssettm $0x7FFFFFFF  }
0xc3: {  	_ =	shalt  }
tec
execute0_lowered:
.L_overlay_start_1:
0x0: {  	(tag) =	ssettag $0x1  }
0x1: {  	s5 =	rddreg [dreg:$0x0]  }
0x2: {  	s1 =	srdreg.scid;
	s0 =	stileid.u32  }
0x3: {  	s2 =	rddreg [dreg:$0x1];
	s3 =	simm.s32 $0x0;
	s13 =	simm.s32 $0x1  }
0x4: {  	s14 =	simm.s32 $0x500;
	s15 =	simm.s32 $0xA00;
	s16 =	simm.s32 $0x2  }
0x5: {  	v0 =	vlaneseq.u32;
	s17 =	simm.s32 $0xAA00;
	s18 =	simm.s32 $0x14A00;
	s19 =	simm.s32 $0x3  }
0x6: {  	s6 =	sand.u32 $0x1, s1;
	s4 =	sshll.u32 s0, $0x1;
	s1 =	rddreg [dreg:$0x2];
	v0 =	vmul.u32 $0x88, v0  }
0x7: {  	s20 =	simm.s32 $0x0;
	[smem:$0x7FF] =	sst s3;
	s8 =	sor.u32 s6, s4  }
0x8: {  	_ =	strace $0x80000047;
	s7 =	ssub.s32 $0x2, s6;
	s10 =	smul.u32 $0x6400, s8;
	v1 =	vor.u32 $0x1, v0;
	v2 =	vor.u32 $0x2, v0;
	v3 =	vor.u32 $0x3, v0  }
0x9: {  	s4 =	sadd.s32 $0x600, s5;
	s5 =	sadd.s32 $0xF42A00, s5;
	s9 =	sshrl.u32 s7, $0x1;
	v4 =	vor.u32 $0x4, v0;
	v5 =	vor.u32 $0x5, v0;
	v6 =	vor.u32 $0x6, v0  }
0xa: {  	s8 =	sshll.u32 s8, $0xA;
	v7 =	vor.u32 $0x7, v0;
	v8 =	vadd.s32 $0x880, v0;
	v9 =	vadd.s32 $0x881, v0;
	s12 =	ssub.s32 s7, s9;
	s31 =	sshrl.u32 s10, $0x3  }
0xb: {  	v10 =	vadd.s32 $0x882, v0;
	v11 =	vadd.s32 $0x883, v0;
	v12 =	vadd.s32 $0x884, v0;
	s11 =	sor.u32 $0x140000, s8;
	s9 =	sadd.s32 $0xA00, s10;
	s6 =	sadd.s32 s4, s31  }
0xc: {  	v13 =	vadd.s32 $0x885, v0;
	v14 =	vadd.s32 $0x886, v0;
	v15 =	vadd.s32 $0x887, v0;
	s10 =	sadd.s32 $0xF00, s10;
	s12 =	smax.u32 s12, $0x1;
	s7 =	sadd.s32 $0xA0, s6  }
.LBB2_1:
0xd: {  	[tilespmem:s3], [sflag:$0x1] =	stream.linear.gather [hbm4b:s6+s3], $0x500, $0x38;
	[tilespmem:$0x1F400] =	vst v63  }
0xe: {  	_ =	swait.ge [sflag:s13], $0x500  }
0xf: {  	[sflag:s13] =	ssyncset.done $0x0  }
0x10: {  	[sflag:s13] =	ssyncadd.s32 $0xFFFFFB00  }
0x11: {  	[tilespmem:s15], [sflag:$0x2] =	stream.indirect.gather [hbm4b:s5+s14], $0x20, s3, s14, $0xb8;
	[tilespmem:$0x1F400] =	vst v63  }
0x12: {  	s21 =	simm.s32 $0x0  }
0x13: {  	[tilespmem:s14], [sflag:$0x1] =	stream.linear.gather [hbm4b:s7+s3], $0x500, $0x38;
	[tilespmem:$0x1F400] =	vst v63  }
.LBB2_2:
0x14: {  	_ =	swait.ge [sflag:s16], $0xA000  }
0x15: {  	p0 =	seq.s32 s21, $0x9;
	[sflag:s16] =	ssyncset.done $0x0  }
0x16: {  	s22 =	smul.u32 @!p0 $0xA00, s21;
	[sflag:s16] =	ssyncadd.s32 $0xFFFF6000  }
0x17: {  	_ =	swait.ge [sflag:s13], $0x500  }
0x18: {  	s23 =	sadd.s32 @!p0 s22, s9;
	[sflag:s13] =	ssyncset.done $0x0  }
0x19: {  	p1 =	seq.s32 @!p0 s21, $0x0;
	s23 =	sshrl.u32 @!p0 s23, $0x3;
	[sflag:s13] =	ssyncadd.s32 $0xFFFFFB00  }
0x1a: {  	[tilespmem:s17], [sflag:$0x2] =	stream.indirect.gather [hbm4b:s5+s14], $0x20, s14, s14, $0xb8;
	[tilespmem:$0x1F400] =	vst v63  }
0x1b: {  	s24 =	simm.s32 @!p0 $0x0;
	p1 =	por p0, !p1;
	s23 =	sadd.s32 @!p0 s4, s23  }
0x1c: {  	[tilespmem:s24], [sflag:$0x1] =	stream.linear.gather @!p0 [hbm4b:s23+s24], $0x500, $0x38;
	[tilespmem:$0x1F400] =	vst v63  }
0x1d: {  	_ =	swait.ge @p1 [sflag:s19], $0xA000  }
0x1e: {  	s25 =	simm.s32 $0x0;
	[sflag:s19] =	ssyncset.done @p1 $0x0  }
0x1f: {  	s23 =	simm.s32 $0x0;
	s24 =	simm.s32 $0xA80;
	[sflag:s19] =	ssyncadd.s32 @p1 $0xFFFF6000  }
.LBB2_3:
0x20: {  	v16 =	vld [tilespmem:s24+$0x70]  }
0x21: {  	v34 =	vld [tilespmem:s24+$0x60]  }
0x22: {  	v33 =	vld [tilespmem:s24+$0x50]  }
0x23: {  	v32 =	vld [tilespmem:s24+$0x40]  }
0x24: {  	v35 =	vld [tilespmem:s24+$0x30];
	v17 =	vmov s25  }
0x25: {  	v36 =	vld [tilespmem:s24+$0x20];
	v18 =	vmov s23;
	v17 =	vmul.u32 $0x1100, v17  }
0x26: {  	v37 =	vld [tilespmem:s24+$0x10];
	v18 =	vshrl.u32 v18, $0x3  }
0x27: {  	v38 =	vld [tilespmem:s24+$0x0];
	v39 =	vbroadcast v17, $0x0;
	v17 =	vshll.u32 v18, $0x3  }
0x28: {  	v31 =	vld [tilespmem:s24+$0xFFFFFFF0];
	v40 =	vbroadcast v17, $0x0  }
0x29: {  	v30 =	vld [tilespmem:s24+$0xFFFFFFE0];
	v17 =	vadd.s32 v0, v39  }
0x2a: {  	v24 =	vld [tilespmem:s24+$0xFFFFFF80];
	v18 =	vadd.s32 v8, v39;
	v25 =	vadd.s32 v17, v40  }
0x2b: {  	v26 =	vld [tilespmem:s24+$0xFFFFFF90];
	v19 =	vadd.s32 v1, v39;
	v27 =	vadd.s32 v18, v40  }
0x2c: {  	v28 =	vld [tilespmem:s24+$0xFFFFFFA0];
	v20 =	vadd.s32 v9, v39;
	v41 =	vadd.s32 v19, v40  }
0x2d: {  	v42 =	vld [tilespmem:s24+$0xFFFFFFB0];
	v21 =	vadd.s32 v2, v39;
	v43 =	vadd.s32 v20, v40  }
0x2e: {  	v44 =	vld [tilespmem:s24+$0xFFFFFFC0];
	v22 =	vadd.s32 v10, v39;
	v45 =	vadd.s32 v21, v40  }
0x2f: {  	v29 =	vld [tilespmem:s24+$0xFFFFFFD0];
	v23 =	vadd.s32 v3, v39;
	v46 =	vadd.s32 v22, v40;
	[tilespmem:v25+s18+$0x0] =	vst.idx.msk $0xffff, v24  }
0x30: {  	v47 =	vadd.s32 v23, v40;
	v24 =	vadd.s32 v11, v39;
	[tilespmem:v27+s18+$0x0] =	vst.idx.msk $0xffff, v26  }
0x31: {  	v25 =	vadd.s32 v4, v39;
	v56 =	vadd.s32 v24, v40;
	[tilespmem:v41+s18+$0x0] =	vst.idx.msk $0xffff, v28  }
0x32: {  	v26 =	vadd.s32 v12, v39;
	v57 =	vadd.s32 v25, v40;
	[tilespmem:v43+s18+$0x0] =	vst.idx.msk $0xffff, v42  }
0x33: {  	v27 =	vadd.s32 v5, v39;
	v58 =	vadd.s32 v26, v40;
	[tilespmem:v45+s18+$0x0] =	vst.idx.msk $0xffff, v44  }
0x34: {  	v28 =	vadd.s32 v13, v39;
	v59 =	vadd.s32 v27, v40;
	[tilespmem:v46+s18+$0x0] =	vst.idx.msk $0xffff, v29  }
0x35: {  	v60 =	vadd.s32 v28, v40;
	v29 =	vadd.s32 v6, v39;
	[tilespmem:v47+s18+$0x0] =	vst.idx.msk $0xffff, v30  }
0x36: {  	v30 =	vadd.s32 v14, v39;
	v61 =	vadd.s32 v29, v40;
	[tilespmem:v56+s18+$0x0] =	vst.idx.msk $0xffff, v31  }
0x37: {  	v62 =	vadd.s32 v30, v40;
	[tilespmem:v57+s18+$0x0] =	vst.idx.msk $0xffff, v38  }
0x38: {  	[tilespmem:v58+s18+$0x0] =	vst.idx.msk $0xffff, v37  }
0x39: {  	v31 =	vadd.s32 v7, v39;
	[tilespmem:v59+s18+$0x0] =	vst.idx.msk $0xffff, v36  }
0x3a: {  	v63 =	vadd.s32 v31, v40;
	[tilespmem:v60+s18+$0x0] =	vst.idx.msk $0xffff, v35  }
0x3b: {  	[tilespmem:v61+s18+$0x0] =	vst.idx.msk $0xffff, v32;
	v32 =	vadd.s32 v15, v39  }
0x3c: {  	[tilespmem:v62+s18+$0x0] =	vst.idx.msk $0xffff, v33;
	v33 =	vadd.s32 v32, v40;
	_ =	sdelay $0x2  }
0x3d: {  	s26 =	simm.s32 $0x8;
	s28 =	smov.u32 s24;
	[tilespmem:v63+s18+$0x0] =	vst.idx.msk $0xffff, v34  }
.LBB2_4:
0x3e: {  	p1 =	sne.s32 s26, $0x78  }
0x3f: {  	[tilespmem:v33+s18+$0x0] =	vst.idx.msk $0xffff, v16;
	s28 =	sadd.s32 $0x100, s28;
	s29 =	smov.u32 s26;
	s26 =	sadd.s32 $0x8, s26  }
0x40: {  	v16 =	vld [tilespmem:s28+$0x70]  }
0x41: {  	v34 =	vld [tilespmem:s28+$0x60]  }
0x42: {  	v35 =	vld [tilespmem:s28+$0x50]  }
0x43: {  	v36 =	vld [tilespmem:s28+$0x40]  }
0x44: {  	v37 =	vld [tilespmem:s28+$0x30]  }
0x45: {  	v33 =	vld [tilespmem:s28+$0x20]  }
0x46: {  	v39 =	vmov s29;
	v38 =	vld [tilespmem:s28+$0x10]  }
0x47: {  	v39 =	vshrl.u32 v39, $0x3;
	v40 =	vld [tilespmem:s28+$0x0]  }
0x48: {  	v39 =	vshll.u32 v39, $0x3;
	v41 =	vld [tilespmem:s28+$0xFFFFFFF0]  }
0x49: {  	v39 =	vbroadcast v39, $0x0;
	v42 =	vld [tilespmem:s28+$0xFFFFFFE0]  }
0x4a: {  	v43 =	vld [tilespmem:s28+$0xFFFFFFD0]  }
0x4b: {  	v45 =	vadd.s32 v17, v39;
	v44 =	vld [tilespmem:s28+$0xFFFFFF80]  }
0x4c: {  	v47 =	vadd.s32 v18, v39;
	v46 =	vld [tilespmem:s28+$0xFFFFFF90]  }
0x4d: {  	v49 =	vadd.s32 v19, v39;
	v48 =	vld [tilespmem:s28+$0xFFFFFFA0]  }
0x4e: {  	v51 =	vadd.s32 v20, v39;
	v50 =	vld [tilespmem:s28+$0xFFFFFFB0]  }
0x4f: {  	v53 =	vadd.s32 v21, v39;
	v52 =	vld [tilespmem:s28+$0xFFFFFFC0]  }
0x50: {  	[tilespmem:v45+s18+$0x0] =	vst.idx.msk $0xffff, v44;
	v44 =	vadd.s32 v22, v39  }
0x51: {  	v45 =	vadd.s32 v23, v39;
	[tilespmem:v47+s18+$0x0] =	vst.idx.msk $0xffff, v46  }
0x52: {  	v46 =	vadd.s32 v24, v39;
	[tilespmem:v49+s18+$0x0] =	vst.idx.msk $0xffff, v48  }
0x53: {  	v47 =	vadd.s32 v25, v39;
	[tilespmem:v51+s18+$0x0] =	vst.idx.msk $0xffff, v50  }
0x54: {  	v48 =	vadd.s32 v26, v39;
	[tilespmem:v53+s18+$0x0] =	vst.idx.msk $0xffff, v52  }
0x55: {  	[tilespmem:v44+s18+$0x0] =	vst.idx.msk $0xffff, v43;
	v43 =	vadd.s32 v27, v39  }
0x56: {  	[tilespmem:v45+s18+$0x0] =	vst.idx.msk $0xffff, v42;
	v42 =	vadd.s32 v28, v39  }
0x57: {  	[tilespmem:v46+s18+$0x0] =	vst.idx.msk $0xffff, v41;
	v41 =	vadd.s32 v29, v39  }
0x58: {  	[tilespmem:v47+s18+$0x0] =	vst.idx.msk $0xffff, v40;
	v40 =	vadd.s32 v30, v39  }
0x59: {  	[tilespmem:v48+s18+$0x0] =	vst.idx.msk $0xffff, v38;
	v38 =	vadd.s32 v31, v39  }
.Ltmp0:
0x5a: {  	[tilespmem:v43+s18+$0x0] =	vst.idx.msk $0xffff, v33;
	v33 =	vadd.s32 v32, v39;
	(pc) =	sbr.rel @p1 .LBB2_4-.Ltmp0, $4  }
0x5b: {  	[tilespmem:v42+s18+$0x0] =	vst.idx.msk $0xffff, v37  }
0x5c: {  	[tilespmem:v41+s18+$0x0] =	vst.idx.msk $0xffff, v36  }
0x5d: {  	[tilespmem:v40+s18+$0x0] =	vst.idx.msk $0xffff, v35  }
0x5e: {  	[tilespmem:v38+s18+$0x0] =	vst.idx.msk $0xffff, v34  }
0x5f: {  	s25 =	sadd.s32 $0x1, s25  }
0x60: {  	p1 =	sne.s32 s25, $0xA  }
.Ltmp1:
0x61: {  	_ = 	snop;
	(pc) =	sbr.rel @p1 .LBB2_3-.Ltmp1, $2  }
0x62: {  	_ =	sdelay $0x2  }
0x63: {  	[tilespmem:v33+s18+$0x0] =	vst.idx.msk $0xffff, v16;
	s24 =	sadd.s32 $0x1000, s24  }
0x64: {  	s23 =	smul.u32 $0x280000, s21;
	_ =	sdelay $0x1  }
0x65: {  	s24 =	sor.u32 s8, s23  }
0x66: {  	s24 =	sshrl.u32 s24, $0x3  }
0x67: {  	s30 =	simm.s32 $0x14A00;
	s25 =	sadd.s32 s2, s24  }
0x68: {  	[hbm4b:s25+s3] =	stream.linear.scatter [tilespmem:s30], [sflag:$0x3], $0x80, $0x38;
	[tilespmem:$0x1F400] =	vst v63  }
0x69: {  	s31 =	simm.s32 $0x14A88;
	s26 =	sadd.s32 $0x10, s25  }
0x6a: {  	[hbm4b:s26+s3] =	stream.linear.scatter [tilespmem:s31], [sflag:$0x3], $0x80, $0x38;
	[tilespmem:$0x1F400] =	vst v63  }
0x6b: {  	s28 =	simm.s32 $0x14DB8;
	s30 =	simm.s32 $0x14B10;
	s31 =	sadd.s32 $0x20, s25  }
0x6c: {  	[hbm4b:s31+s3] =	stream.linear.scatter [tilespmem:s30], [sflag:$0x3], $0x80, $0x38;
	[tilespmem:$0x1F400] =	vst v63  }
0x6d: {  	s24 =	simm.s32 $0x440;
	s30 =	simm.s32 $0x14B98;
	s31 =	sadd.s32 $0x30, s25  }
0x6e: {  	[hbm4b:s31+s3] =	stream.linear.scatter [tilespmem:s30], [sflag:$0x3], $0x80, $0x38;
	[tilespmem:$0x1F400] =	vst v63  }
0x6f: {  	s29 =	sadd.s32 $0x70, s25;
	s30 =	simm.s32 $0x14C20;
	s31 =	sadd.s32 $0x40, s25  }
0x70: {  	[hbm4b:s31+s3] =	stream.linear.scatter [tilespmem:s30], [sflag:$0x3], $0x80, $0x38;
	[tilespmem:$0x1F400] =	vst v63  }
0x71: {  	s26 =	simm.s32 $0x2200;
	s30 =	simm.s32 $0x14CA8;
	s31 =	sadd.s32 $0x50, s25  }
0x72: {  	[hbm4b:s31+s3] =	stream.linear.scatter [tilespmem:s30], [sflag:$0x3], $0x80, $0x38;
	[tilespmem:$0x1F400] =	vst v63  }
0x73: {  	s30 =	simm.s32 $0x14D30;
	s31 =	sadd.s32 $0x60, s25;
	s25 =	sadd.s32 $0x1000, s25  }
0x74: {  	[hbm4b:s31+s3] =	stream.linear.scatter [tilespmem:s30], [sflag:$0x3], $0x80, $0x38;
	[tilespmem:$0x1F400] =	vst v63  }
.LBB2_7:
0x75: {  	[hbm4b:s29+s3] =	stream.linear.scatter [tilespmem:s28], [sflag:$0x3], $0x80, $0x38;
	[tilespmem:$0x1F400] =	vst v63  }
0x76: {  	s28 =	smov.u32 s24;
	s24 =	smov.u32 s26  }
0x77: {  	s30 =	sadd.s32 $0x1100, s26;
	s24 =	sshra.s32 s24, $0x2;
	s29 =	sadd.s32 $0x14A00, s28  }
0x78: {  	[hbm4b:s25+s3] =	stream.linear.scatter [tilespmem:s29], [sflag:$0x3], $0x80, $0x38;
	[tilespmem:$0x1F400] =	vst v63  }
0x79: {  	p1 =	sne.s32 s26, $0x29700;
	s26 =	sadd.s32 $0x14A88, s28;
	s29 =	sadd.s32 $0x10, s25  }
0x7a: {  	[hbm4b:s29+s3] =	stream.linear.scatter [tilespmem:s26], [sflag:$0x3], $0x80, $0x38;
	[tilespmem:$0x1F400] =	vst v63  }
0x7b: {  	s26 =	sadd.s32 $0x14B10, s28;
	s29 =	sadd.s32 $0x20, s25  }
0x7c: {  	[hbm4b:s29+s3] =	stream.linear.scatter [tilespmem:s26], [sflag:$0x3], $0x80, $0x38;
	[tilespmem:$0x1F400] =	vst v63  }
0x7d: {  	s26 =	sadd.s32 $0x14B98, s28;
	s29 =	sadd.s32 $0x30, s25  }
0x7e: {  	[hbm4b:s29+s3] =	stream.linear.scatter [tilespmem:s26], [sflag:$0x3], $0x80, $0x38;
	[tilespmem:$0x1F400] =	vst v63  }
0x7f: {  	s26 =	sadd.s32 $0x14C20, s28;
	s29 =	sadd.s32 $0x40, s25  }
0x80: {  	[hbm4b:s29+s3] =	stream.linear.scatter [tilespmem:s26], [sflag:$0x3], $0x80, $0x38;
	[tilespmem:$0x1F400] =	vst v63  }
.Ltmp2:
0x81: {  	s26 =	sadd.s32 $0x14CA8, s28;
	s29 =	sadd.s32 $0x50, s25;
	(pc) =	sbr.rel @p1 .LBB2_7-.Ltmp2, $4  }
0x82: {  	[hbm4b:s29+s3] =	stream.linear.scatter [tilespmem:s26], [sflag:$0x3], $0x80, $0x38;
	[tilespmem:$0x1F400] =	vst v63  }
0x83: {  	s26 =	sadd.s32 $0x14D30, s28;
	s29 =	sadd.s32 $0x60, s25;
	s28 =	sadd.s32 $0x14DB8, s28  }
0x84: {  	[hbm4b:s29+s3] =	stream.linear.scatter [tilespmem:s26], [sflag:$0x3], $0x80, $0x38;
	[tilespmem:$0x1F400] =	vst v63  }
0x85: {  	s29 =	sadd.s32 $0x70, s25;
	s25 =	sadd.s32 $0x1000, s25;
	s26 =	smov.u32 s30  }
0x86: {  	[hbm4b:s29+s3] =	stream.linear.scatter [tilespmem:s28], [sflag:$0x3], $0x80, $0x38;
	[tilespmem:$0x1F400] =	vst v63  }
0x87: {  	s26 =	sadd.s32 $0x14A00, s24  }
0x88: {  	[hbm4b:s25+s3] =	stream.linear.scatter [tilespmem:s26], [sflag:$0x3], $0x80, $0x38;
	[tilespmem:$0x1F400] =	vst v63  }
0x89: {  	s30 =	sadd.s32 $0x14A88, s24;
	s31 =	sadd.s32 $0x10, s25  }
0x8a: {  	[hbm4b:s31+s3] =	stream.linear.scatter [tilespmem:s30], [sflag:$0x3], $0x80, $0x38;
	[tilespmem:$0x1F400] =	vst v63  }
0x8b: {  	s29 =	sadd.s32 $0x14B10, s24;
	s30 =	sadd.s32 $0x20, s25  }
0x8c: {  	[hbm4b:s30+s3] =	stream.linear.scatter [tilespmem:s29], [sflag:$0x3], $0x80, $0x38;
	[tilespmem:$0x1F400] =	vst v63  }
0x8d: {  	s31 =	sadd.s32 $0x14B98, s24;
	s29 =	sadd.s32 $0x30, s25  }
0x8e: {  	[hbm4b:s29+s3] =	stream.linear.scatter [tilespmem:s31], [sflag:$0x3], $0x80, $0x38;
	[tilespmem:$0x1F400] =	vst v63  }
0x8f: {  	s30 =	sadd.s32 $0x14C20, s24;
	s31 =	sadd.s32 $0x40, s25  }
0x90: {  	[hbm4b:s31+s3] =	stream.linear.scatter [tilespmem:s30], [sflag:$0x3], $0x80, $0x38;
	[tilespmem:$0x1F400] =	vst v63  }
0x91: {  	s29 =	sadd.s32 $0x14CA8, s24;
	s30 =	sadd.s32 $0x50, s25  }
0x92: {  	[hbm4b:s30+s3] =	stream.linear.scatter [tilespmem:s29], [sflag:$0x3], $0x80, $0x38;
	[tilespmem:$0x1F400] =	vst v63  }
0x93: {  	s31 =	sadd.s32 $0x14D30, s24;
	s29 =	sadd.s32 $0x60, s25  }
0x94: {  	[hbm4b:s29+s3] =	stream.linear.scatter [tilespmem:s31], [sflag:$0x3], $0x80, $0x38;
	[tilespmem:$0x1F400] =	vst v63  }
0x95: {  	s30 =	sadd.s32 $0x14DB8, s24;
	s31 =	sadd.s32 $0x70, s25  }
0x96: {  	[hbm4b:s31+s3] =	stream.linear.scatter [tilespmem:s30], [sflag:$0x3], $0x80, $0x38;
	[tilespmem:$0x1F400] =	vst v63  }
0x97: {  	_ =	swait.ge [sflag:s16], $0xA000  }
0x98: {  	[sflag:s16] =	ssyncset.done $0x0  }
0x99: {  	s24 =	simm.s32 @!p0 $0x1;
	[sflag:s16] =	ssyncadd.s32 $0xFFFF6000  }
0x9a: {  	s22 =	sadd.s32 @!p0 s22, s10;
	_ =	swait.ge @!p0 [sflag:s24], $0x500  }
0x9b: {  	s22 =	sshrl.u32 @!p0 s22, $0x3;
	s26 =	simm.s32 @!p0 $0xA00;
	[sflag:s24] =	ssyncset.done @!p0 $0x0  }
0x9c: {  	s25 =	simm.s32 @!p0 $0x0;
	[sflag:s24] =	ssyncadd.s32 @!p0 $0xFFFFFB00;
	s24 =	simm.s32 @!p0 $0x500  }
0x9d: {  	[tilespmem:s26], [sflag:$0x2] =	stream.indirect.gather @!p0 [hbm4b:s5+s24], $0x20, s25, s24, $0xb8;
	[tilespmem:$0x1F400] =	vst v63  }
0x9e: {  	s22 =	sadd.s32 @!p0 s4, s22  }
0x9f: {  	[tilespmem:s24], [sflag:$0x1] =	stream.linear.gather @!p0 [hbm4b:s22+s25], $0x500, $0x38;
	[tilespmem:$0x1F400] =	vst v63  }
0xa0: {  	_ =	swait.ge [sflag:s19], $0xA000  }
0xa1: {  	s22 =	simm.s32 $0x0;
	[sflag:s19] =	ssyncset.done $0x0  }
0xa2: {  	s24 =	simm.s32 $0xA00;
	s25 =	simm.s32 $0x0;
	[sflag:s19] =	ssyncadd.s32 $0xFFFF6000  }
.LBB2_9:
0xa3: {  	v17 =	vmov s24;
	_ =	sdelay $0x3  }
0xa4: {  	s26 =	simm.s32 $0x0  }
0xa5: {  	v31 =	vld.idx.msk [tilespmem:v17+s26+$0xA060 ss:$0x1], $0xffff  }
0xa6: {  	v16 =	vld.idx.msk [tilespmem:v17+s26+$0xA0F0 ss:$0x1], $0xffff  }
0xa7: {  	v25 =	vld.idx.msk [tilespmem:v17+s26+$0xA080 ss:$0x1], $0xffff  }
0xa8: {  	v50 =	vld.idx.msk [tilespmem:v17+s26+$0xA040 ss:$0x1], $0xffff  }
0xa9: {  	v19 =	vmov s25;
	v18 =	vld.idx.msk [tilespmem:v17+s26+$0xA0D0 ss:$0x1], $0xffff  }
0xaa: {  	v20 =	vmov s22;
	v19 =	vmul.u32 $0x1100, v19;
	v26 =	vld.idx.msk [tilespmem:v17+s26+$0xA0B0 ss:$0x1], $0xffff  }
0xab: {  	v20 =	vshrl.u32 v20, $0x3;
	v32 =	vld.idx.msk [tilespmem:v17+s26+$0xA0C0 ss:$0x1], $0xffff  }
0xac: {  	v35 =	vbroadcast v19, $0x0;
	v19 =	vshll.u32 v20, $0x3;
	v51 =	vld.idx.msk [tilespmem:v17+s26+$0xA030 ss:$0x1], $0xffff  }
0xad: {  	v23 =	vbroadcast v19, $0x0;
	v44 =	vld.idx.msk [tilespmem:v17+s26+$0xA010 ss:$0x1], $0xffff  }
0xae: {  	v45 =	vld.idx.msk [tilespmem:v17+s26+$0xA020 ss:$0x1], $0xffff;
	v19 =	vadd.s32 v0, v35;
	v20 =	vadd.s32 v1, v35;
	v21 =	vadd.s32 v2, v35  }
0xaf: {  	v40 =	vld.idx.msk [tilespmem:v17+s26+$0xA000 ss:$0x1], $0xffff;
	v22 =	vadd.s32 v3, v35;
	v24 =	vadd.s32 v8, v35;
	v47 =	vadd.s32 v19, v23  }
0xb0: {  	v41 =	vld.idx.msk [tilespmem:v17+s26+$0xA090 ss:$0x1], $0xffff;
	v27 =	vadd.s32 v4, v35;
	v30 =	vadd.s32 v5, v35;
	v48 =	vadd.s32 v24, v23  }
0xb1: {  	v42 =	vld.idx.msk [tilespmem:v17+s26+$0xA0A0 ss:$0x1], $0xffff;
	v28 =	vadd.s32 v6, v35;
	v33 =	vadd.s32 v9, v35;
	v52 =	vadd.s32 v20, v23  }
0xb2: {  	v49 =	vld.idx.msk [tilespmem:v17+s26+$0xA050 ss:$0x1], $0xffff;
	v29 =	vadd.s32 v7, v35;
	v34 =	vadd.s32 v10, v35;
	v53 =	vadd.s32 v33, v23  }
0xb3: {  	v46 =	vld.idx.msk [tilespmem:v17+s26+$0xA070 ss:$0x1], $0xffff;
	v37 =	vadd.s32 v11, v35;
	v38 =	vadd.s32 v12, v35;
	v54 =	vadd.s32 v21, v23  }
0xb4: {  	v43 =	vld.idx.msk [tilespmem:v17+s26+$0xA0E0 ss:$0x1], $0xffff;
	v39 =	vadd.s32 v13, v35;
	v36 =	vadd.s32 v14, v35;
	[tilespmem:v47+s18+$0x0] =	vst.idx.msk $0xffff, v40  }
0xb5: {  	v35 =	vadd.s32 v15, v35;
	[tilespmem:v48+s18+$0x0] =	vst.idx.msk $0xffff, v44;
	v48 =	vadd.s32 v34, v23  }
0xb6: {  	v40 =	vadd.s32 v39, v23;
	v47 =	vadd.s32 v22, v23;
	[tilespmem:v52+s18+$0x0] =	vst.idx.msk $0xffff, v45  }
0xb7: {  	v44 =	vadd.s32 v38, v23;
	[tilespmem:v53+s18+$0x0] =	vst.idx.msk $0xffff, v51;
	v51 =	vadd.s32 v37, v23  }
0xb8: {  	s28 =	simm.s32 $0x0;
	s26 =	simm.s32 $0x400;
	v45 =	vadd.s32 v27, v23;
	[tilespmem:v54+s18+$0x0] =	vst.idx.msk $0xffff, v50;
	v50 =	vadd.s32 v30, v23  }
.LBB2_10:
0xb9: {  	p0 =	sne.s32 s26, $0x3C00  }
0xba: {  	[tilespmem:v48+s18+$0x0] =	vst.idx.msk $0xffff, v49;
	s28 =	sadd.s32 $0x8, s28;
	s29 =	smov.u32 s26;
	s26 =	sadd.s32 $0x400, s26  }
0xbb: {  	[tilespmem:v47+s18+$0x0] =	vst.idx.msk $0xffff, v31;
	v31 =	vadd.s32 v28, v23  }
0xbc: {  	[tilespmem:v51+s18+$0x0] =	vst.idx.msk $0xffff, v46;
	v46 =	vadd.s32 v36, v23  }
0xbd: {  	[tilespmem:v45+s18+$0x0] =	vst.idx.msk $0xffff, v25;
	v25 =	vadd.s32 v29, v23  }
0xbe: {  	[tilespmem:v44+s18+$0x0] =	vst.idx.msk $0xffff, v41;
	v41 =	vadd.s32 v35, v23  }
0xbf: {  	[tilespmem:v50+s18+$0x0] =	vst.idx.msk $0xffff, v42  }
0xc0: {  	[tilespmem:v40+s18+$0x0] =	vst.idx.msk $0xffff, v26  }
0xc1: {  	v23 =	vmov s28;
	[tilespmem:v31+s18+$0x0] =	vst.idx.msk $0xffff, v32  }
0xc2: {  	v23 =	vshrl.u32 v23, $0x3;
	[tilespmem:v46+s18+$0x0] =	vst.idx.msk $0xffff, v18  }
0xc3: {  	v18 =	vshll.u32 v23, $0x3;
	[tilespmem:v25+s18+$0x0] =	vst.idx.msk $0xffff, v43  }
0xc4: {  	s29 =	sshra.s32 s29, $0x2;
	v23 =	vbroadcast v18, $0x0;
	[tilespmem:v41+s18+$0x0] =	vst.idx.msk $0xffff, v16  }
0xc5: {  	v31 =	vld.idx.msk [tilespmem:v17+s29+$0xA060 ss:$0x1], $0xffff  }
0xc6: {  	v50 =	vadd.s32 v19, v23;
	v40 =	vadd.s32 v39, v23;
	v16 =	vld.idx.msk [tilespmem:v17+s29+$0xA0F0 ss:$0x1], $0xffff  }
0xc7: {  	v51 =	vadd.s32 v24, v23;
	v25 =	vld.idx.msk [tilespmem:v17+s29+$0xA080 ss:$0x1], $0xffff  }
0xc8: {  	v53 =	vadd.s32 v20, v23;
	v52 =	vld.idx.msk [tilespmem:v17+s29+$0xA040 ss:$0x1], $0xffff  }
0xc9: {  	v54 =	vadd.s32 v33, v23;
	v18 =	vld.idx.msk [tilespmem:v17+s29+$0xA0D0 ss:$0x1], $0xffff  }
0xca: {  	v55 =	vadd.s32 v21, v23;
	v26 =	vld.idx.msk [tilespmem:v17+s29+$0xA0B0 ss:$0x1], $0xffff  }
0xcb: {  	v48 =	vadd.s32 v34, v23;
	v32 =	vld.idx.msk [tilespmem:v17+s29+$0xA0C0 ss:$0x1], $0xffff  }
0xcc: {  	v47 =	vadd.s32 v22, v23;
	v56 =	vld.idx.msk [tilespmem:v17+s29+$0xA030 ss:$0x1], $0xffff  }
0xcd: {  	v57 =	vld.idx.msk [tilespmem:v17+s29+$0xA010 ss:$0x1], $0xffff  }
0xce: {  	v45 =	vadd.s32 v27, v23;
	v58 =	vld.idx.msk [tilespmem:v17+s29+$0xA020 ss:$0x1], $0xffff  }
0xcf: {  	v44 =	vadd.s32 v38, v23;
	v59 =	vld.idx.msk [tilespmem:v17+s29+$0xA000 ss:$0x1], $0xffff  }
0xd0: {  	v41 =	vld.idx.msk [tilespmem:v17+s29+$0xA090 ss:$0x1], $0xffff  }
0xd1: {  	v42 =	vld.idx.msk [tilespmem:v17+s29+$0xA0A0 ss:$0x1], $0xffff  }
0xd2: {  	v49 =	vld.idx.msk [tilespmem:v17+s29+$0xA050 ss:$0x1], $0xffff  }
0xd3: {  	v46 =	vld.idx.msk [tilespmem:v17+s29+$0xA070 ss:$0x1], $0xffff  }
0xd4: {  	v43 =	vld.idx.msk [tilespmem:v17+s29+$0xA0E0 ss:$0x1], $0xffff  }
.Ltmp3:
0xd5: {  	[tilespmem:v50+s18+$0x0] =	vst.idx.msk $0xffff, v59;
	(pc) =	sbr.rel @p0 .LBB2_10-.Ltmp3, $4  }
0xd6: {  	[tilespmem:v51+s18+$0x0] =	vst.idx.msk $0xffff, v57;
	v51 =	vadd.s32 v37, v23  }
0xd7: {  	[tilespmem:v53+s18+$0x0] =	vst.idx.msk $0xffff, v58  }
0xd8: {  	[tilespmem:v54+s18+$0x0] =	vst.idx.msk $0xffff, v56  }
0xd9: {  	v50 =	vadd.s32 v30, v23;
	[tilespmem:v55+s18+$0x0] =	vst.idx.msk $0xffff, v52  }
0xda: {  	_ =	sdelay $0x3  }
0xdb: {  	[tilespmem:v48+s18+$0x0] =	vst.idx.msk $0xffff, v49  }
0xdc: {  	[tilespmem:v47+s18+$0x0] =	vst.idx.msk $0xffff, v31  }
0xdd: {  	v17 =	vadd.s32 v28, v23;
	[tilespmem:v51+s18+$0x0] =	vst.idx.msk $0xffff, v46  }
0xde: {  	v19 =	vadd.s32 v36, v23;
	[tilespmem:v45+s18+$0x0] =	vst.idx.msk $0xffff, v25  }
0xdf: {  	v20 =	vadd.s32 v29, v23;
	s25 =	sadd.s32 $0x1, s25;
	[tilespmem:v44+s18+$0x0] =	vst.idx.msk $0xffff, v41  }
0xe0: {  	v21 =	vadd.s32 v35, v23;
	p0 =	sne.s32 s25, $0xA;
	[tilespmem:v50+s18+$0x0] =	vst.idx.msk $0xffff, v42  }
.Ltmp4:
0xe1: {  	[tilespmem:v40+s18+$0x0] =	vst.idx.msk $0xffff, v26;
	(pc) =	sbr.rel @p0 .LBB2_9-.Ltmp4, $4  }
0xe2: {  	[tilespmem:v17+s18+$0x0] =	vst.idx.msk $0xffff, v32  }
0xe3: {  	[tilespmem:v19+s18+$0x0] =	vst.idx.msk $0xffff, v18  }
0xe4: {  	[tilespmem:v20+s18+$0x0] =	vst.idx.msk $0xffff, v43  }
0xe5: {  	s24 =	sadd.s32 $0x1000, s24;
	[tilespmem:v21+s18+$0x0] =	vst.idx.msk $0xffff, v16  }
0xe6: {  	s22 =	sadd.s32 s11, s23  }
0xe7: {  	s22 =	sshrl.u32 s22, $0x3  }
0xe8: {  	s25 =	simm.s32 $0x14A00;
	s23 =	sadd.s32 s2, s22  }
0xe9: {  	[hbm4b:s23+s3] =	stream.linear.scatter [tilespmem:s25], [sflag:$0x3], $0x80, $0x38;
	[tilespmem:$0x1F400] =	vst v63  }
0xea: {  	s26 =	simm.s32 $0x14A88;
	s24 =	sadd.s32 $0x10, s23  }
0xeb: {  	[hbm4b:s24+s3] =	stream.linear.scatter [tilespmem:s26], [sflag:$0x3], $0x80, $0x38;
	[tilespmem:$0x1F400] =	vst v63  }
0xec: {  	s28 =	simm.s32 $0x14B10;
	s30 =	simm.s32 $0x14B98;
	s29 =	sadd.s32 $0x20, s23  }
0xed: {  	[hbm4b:s29+s3] =	stream.linear.scatter [tilespmem:s28], [sflag:$0x3], $0x80, $0x38;
	[tilespmem:$0x1F400] =	vst v63  }
0xee: {  	s22 =	simm.s32 $0x440;
	s31 =	sadd.s32 $0x30, s23;
	s25 =	simm.s32 $0x14C20  }
0xef: {  	[hbm4b:s31+s3] =	stream.linear.scatter [tilespmem:s30], [sflag:$0x3], $0x80, $0x38;
	[tilespmem:$0x1F400] =	vst v63  }
0xf0: {  	s26 =	sadd.s32 $0x40, s23;
	s24 =	simm.s32 $0x2200;
	s28 =	simm.s32 $0x14CA8  }
0xf1: {  	[hbm4b:s26+s3] =	stream.linear.scatter [tilespmem:s25], [sflag:$0x3], $0x80, $0x38;
	[tilespmem:$0x1F400] =	vst v63  }
0xf2: {  	s29 =	sadd.s32 $0x50, s23;
	s30 =	simm.s32 $0x14D30;
	s31 =	sadd.s32 $0x60, s23  }
0xf3: {  	[hbm4b:s29+s3] =	stream.linear.scatter [tilespmem:s28], [sflag:$0x3], $0x80, $0x38;
	[tilespmem:$0x1F400] =	vst v63  }
0xf4: {  	s25 =	simm.s32 $0x14DB8;
	s26 =	sadd.s32 $0x70, s23;
	s23 =	sadd.s32 $0x1000, s23  }
0xf5: {  	[hbm4b:s31+s3] =	stream.linear.scatter [tilespmem:s30], [sflag:$0x3], $0x80, $0x38;
	[tilespmem:$0x1F400] =	vst v63  }
.LBB2_13:
0xf6: {  	[hbm4b:s26+s3] =	stream.linear.scatter [tilespmem:s25], [sflag:$0x3], $0x80, $0x38;
	[tilespmem:$0x1F400] =	vst v63  }
0xf7: {  	s25 =	smov.u32 s22;
	s22 =	smov.u32 s24  }
0xf8: {  	s28 =	sadd.s32 $0x1100, s24;
	s22 =	sshra.s32 s22, $0x2;
	s26 =	sadd.s32 $0x14A00, s25  }
0xf9: {  	[hbm4b:s23+s3] =	stream.linear.scatter [tilespmem:s26], [sflag:$0x3], $0x80, $0x38;
	[tilespmem:$0x1F400] =	vst v63  }
0xfa: {  	p0 =	sne.s32 s24, $0x29700;
	s24 =	sadd.s32 $0x14A88, s25;
	s26 =	sadd.s32 $0x10, s23  }
0xfb: {  	[hbm4b:s26+s3] =	stream.linear.scatter [tilespmem:s24], [sflag:$0x3], $0x80, $0x38;
	[tilespmem:$0x1F400] =	vst v63  }
0xfc: {  	s24 =	sadd.s32 $0x14B10, s25;
	s26 =	sadd.s32 $0x20, s23  }
0xfd: {  	[hbm4b:s26+s3] =	stream.linear.scatter [tilespmem:s24], [sflag:$0x3], $0x80, $0x38;
	[tilespmem:$0x1F400] =	vst v63  }
0xfe: {  	s24 =	sadd.s32 $0x14B98, s25;
	s26 =	sadd.s32 $0x30, s23  }
0xff: {  	[hbm4b:s26+s3] =	stream.linear.scatter [tilespmem:s24], [sflag:$0x3], $0x80, $0x38;
	[tilespmem:$0x1F400] =	vst v63  }
0x100: {  	s24 =	sadd.s32 $0x14C20, s25;
	s26 =	sadd.s32 $0x40, s23  }
0x101: {  	[hbm4b:s26+s3] =	stream.linear.scatter [tilespmem:s24], [sflag:$0x3], $0x80, $0x38;
	[tilespmem:$0x1F400] =	vst v63  }
.Ltmp5:
0x102: {  	s24 =	sadd.s32 $0x14CA8, s25;
	s26 =	sadd.s32 $0x50, s23;
	(pc) =	sbr.rel @p0 .LBB2_13-.Ltmp5, $4  }
0x103: {  	[hbm4b:s26+s3] =	stream.linear.scatter [tilespmem:s24], [sflag:$0x3], $0x80, $0x38;
	[tilespmem:$0x1F400] =	vst v63  }
0x104: {  	s24 =	sadd.s32 $0x14D30, s25;
	s26 =	sadd.s32 $0x60, s23;
	s25 =	sadd.s32 $0x14DB8, s25  }
0x105: {  	[hbm4b:s26+s3] =	stream.linear.scatter [tilespmem:s24], [sflag:$0x3], $0x80, $0x38;
	[tilespmem:$0x1F400] =	vst v63  }
0x106: {  	s26 =	sadd.s32 $0x70, s23;
	s23 =	sadd.s32 $0x1000, s23;
	s24 =	smov.u32 s28  }
0x107: {  	[hbm4b:s26+s3] =	stream.linear.scatter [tilespmem:s25], [sflag:$0x3], $0x80, $0x38;
	[tilespmem:$0x1F400] =	vst v63  }
0x108: {  	s24 =	sadd.s32 $0x14A00, s22  }
0x109: {  	[hbm4b:s23+s3] =	stream.linear.scatter [tilespmem:s24], [sflag:$0x3], $0x80, $0x38;
	[tilespmem:$0x1F400] =	vst v63  }
0x10a: {  	s30 =	sadd.s32 $0x14A88, s22;
	s31 =	sadd.s32 $0x10, s23  }
0x10b: {  	[hbm4b:s31+s3] =	stream.linear.scatter [tilespmem:s30], [sflag:$0x3], $0x80, $0x38;
	[tilespmem:$0x1F400] =	vst v63  }
0x10c: {  	s25 =	sadd.s32 $0x14B10, s22;
	s26 =	sadd.s32 $0x20, s23  }
0x10d: {  	[hbm4b:s26+s3] =	stream.linear.scatter [tilespmem:s25], [sflag:$0x3], $0x80, $0x38;
	[tilespmem:$0x1F400] =	vst v63  }
0x10e: {  	s28 =	sadd.s32 $0x14B98, s22;
	s29 =	sadd.s32 $0x30, s23  }
0x10f: {  	[hbm4b:s29+s3] =	stream.linear.scatter [tilespmem:s28], [sflag:$0x3], $0x80, $0x38;
	[tilespmem:$0x1F400] =	vst v63  }
0x110: {  	s21 =	sadd.s32 $0x1, s21;
	s30 =	sadd.s32 $0x14C20, s22;
	s31 =	sadd.s32 $0x40, s23  }
0x111: {  	[hbm4b:s31+s3] =	stream.linear.scatter [tilespmem:s30], [sflag:$0x3], $0x80, $0x38;
	[tilespmem:$0x1F400] =	vst v63  }
0x112: {  	p0 =	sne.s32 s21, $0xA;
	s25 =	sadd.s32 $0x14CA8, s22;
	s26 =	sadd.s32 $0x50, s23  }
0x113: {  	[hbm4b:s26+s3] =	stream.linear.scatter [tilespmem:s25], [sflag:$0x3], $0x80, $0x38;
	[tilespmem:$0x1F400] =	vst v63  }
.Ltmp6:
0x114: {  	_ = 	snop;
	(pc) =	sbr.rel @p0 .LBB2_2-.Ltmp6, $4  }
0x115: {  	s28 =	sadd.s32 $0x14D30, s22;
	s29 =	sadd.s32 $0x60, s23  }
0x116: {  	[hbm4b:s29+s3] =	stream.linear.scatter [tilespmem:s28], [sflag:$0x3], $0x80, $0x38;
	[tilespmem:$0x1F400] =	vst v63  }
0x117: {  	s30 =	sadd.s32 $0x14DB8, s22;
	s31 =	sadd.s32 $0x70, s23  }
0x118: {  	[hbm4b:s31+s3] =	stream.linear.scatter [tilespmem:s30], [sflag:$0x3], $0x80, $0x38;
	[tilespmem:$0x1F400] =	vst v63  }
0x119: {  	s20 =	sadd.s32 $0x1, s20  }
0x11a: {  	p0 =	sne.s32 s20, s12  }
.Ltmp7:
0x11b: {  	_ = 	snop;
	(pc) =	sbr.rel @p0 .LBB2_1-.Ltmp7, $4  }
0x11c: {  	_ = 	snop  }
0x11d: {  	_ =	swait.ge [sflag:s19], $0xA000  }
0x11e: {  	[sflag:s19] =	ssyncset.done $0x0  }
0x11f: {  	[sflag:s19] =	ssyncadd.s32 $0xFFFF6000  }
0x120: {  	_ =	sfence.sel $0x180000  }
0x121: {  	[bflag:$0x0] =	sbarrier.arrive $0xFFFF  }
0x122: {  	p0 =	sne.s32 s0, $0x0;
	_ =	strace $0x90000047  }
0x123: {  	s0 =	sadd.s32 @!p0 $0x100000, s1;
	[bflag:$0x2] =	sbarrier.arrive $0xFFFF  }
0x124: {  	[sflag:s0] =	ssyncadd.tile.s32 @!p0 $0x1;
	_ =	shalt  }
.Lfunc_end2:
_tile_overlayer_lowered:
.L_overlay_start_2:
0x125: {  	(tag) =	ssettag $0x2  }
0x126: {  	s0 =	rddreg [dreg:$0x0];
	s2 =	stileid.u32  }
0x127: {  	s1 =	rddreg [dreg:$0x1];
	p0 =	sne.s32 s2, $0x0  }
0x128: {  	s3 =	rddreg [dreg:$0x2];
	[bflag:$0x3] =	sbarrier.arrive $0xFFFF;
	s2 =	simm.s32 @!p0 $0x1C04  }
0x129: {  	[timem:s3], [sflag:s2] =	dma.local @!p0 [hbm:s0], s1  }
0x12a: {  	s0 =	simm.s32 @!p0 $0x4  }
0x12b: {  	_ =	swait.ge @!p0 [sflag:s0], s1  }
0x12c: {  	s1 =	ssub.s32 @!p0 $0x0, s1;
	[sflag:s0] =	ssyncset.done @!p0 $0x0  }
0x12d: {  	[sflag:s0] =	ssyncadd.s32 @!p0 s1  }
0x12e: {  	[bflag:$0x3] =	sbarrier.arrive $0xFFFF  }
0x12f: {  	_ =	shalt  }

</sc_bundles>
